<compile_context>
chip_gen: v7x
topology: tpu7x:2x2x1
jax: 0.10.2.dev20260603
libtpu: 0.0.44.dev20260713+nightly
codegen_flags: <defaults>
</compile_context>

<pallas_src>
import functools

import jax
import jax.numpy as jnp
from jax import lax
from jax.experimental import pallas as pl
from jax.experimental.layout import Format, Layout
from jax.experimental.pallas import tpu as pltpu
from jax.experimental.pallas import tpu_sc as plsc

VOCAB = 1000002
EMBED_DIM = 32
N_TOKENS = 819200

_info = plsc.get_sparse_core_info()
_NW = _info.num_cores * _info.num_subcores
_B_PER_W = N_TOKENS // _NW
_CHUNK = 1280
_N_CHUNKS = _B_PER_W // _CHUNK


def _embed_body(idx_hbm, table_hbm, out_hbm, idx_v, rows_v,
                gsem0, gsem1, ssem0, ssem1):
    wid = lax.axis_index("s") * _info.num_cores + lax.axis_index("c")
    base = wid * _B_PER_W
    gsems = (gsem0, gsem1)
    ssems = (ssem0, ssem1)

    def start_gather(g, b):
        idx_ref = idx_v.at[pl.ds(g * _CHUNK, _CHUNK)]
        pltpu.make_async_copy(table_hbm.at[idx_ref], rows_v.at[b],
                              gsems[b]).start()

    def wait_gather(b):
        pltpu.make_async_copy(table_hbm.at[pl.ds(0, _CHUNK)], rows_v.at[b],
                              gsems[b]).wait()

    def start_store(g, b):
        pltpu.make_async_copy(rows_v.at[b],
                              out_hbm.at[pl.ds(base + g * _CHUNK, _CHUNK)],
                              ssems[b]).start()

    def wait_store(b):
        pltpu.make_async_copy(out_hbm.at[pl.ds(0, _CHUNK)], rows_v.at[b],
                              ssems[b]).wait()

    def step(g, b, first, last):
        wait_gather(b)
        if not last:
            start_gather(g + 1, 1 - b)
        if not first:
            wait_store(b)
        start_store(g, b)

    pltpu.sync_copy(idx_hbm.at[pl.ds(base, _B_PER_W)], idx_v)

    start_gather(0, 0)
    step(0, 0, first=True, last=False)
    step(1, 1, first=True, last=False)
    step(2, 0, first=False, last=False)

    def superstep(ss, carry):
        step(3 + 2 * ss, 1, first=False, last=False)
        step(4 + 2 * ss, 0, first=False, last=False)
        return carry

    lax.fori_loop(0, (_N_CHUNKS - 4) // 2, superstep, 0)

    step(_N_CHUNKS - 1, 1, first=False, last=True)
    wait_store(0)
    wait_store(1)


def _embed(indices, table):
    mesh = plsc.VectorSubcoreMesh(core_axis_name="c", subcore_axis_name="s")
    f = functools.partial(
        pl.kernel,
        mesh=mesh,
        out_type=jax.ShapeDtypeStruct((N_TOKENS, EMBED_DIM), jnp.float32),
        scratch_types=[
            pltpu.VMEM((_B_PER_W,), jnp.int32),
            pltpu.VMEM((2, _CHUNK, EMBED_DIM), jnp.float32),
            pltpu.SemaphoreType.DMA,
            pltpu.SemaphoreType.DMA,
            pltpu.SemaphoreType.DMA,
            pltpu.SemaphoreType.DMA,
        ],
        compiler_params=pltpu.CompilerParams(use_tc_tiling_on_sc=False,
                                             needs_layout_passes=True),
    )(_embed_body)
    return f(indices, table)


_jit_embed = jax.jit(_embed)


def kernel(indices, table):
    return _jit_embed(indices, table)

# --- scband reference (transcript-rebuilt; emitter-appended) ---
"""Pipeline reference for scband-random-embedder-42047729827868 (READ-ONLY COPY).

The authoritative reference and input builder live on the scoring server;
editing this copy changes nothing except your own understanding.
"""

import jax, jax.numpy as jnp
import numpy as np

VOCAB = 1000002  # len(vocab) + 2 (UNK, PAD)
EMBED_DIM = 32
N_TOKENS = 819200  # batch 16384 * hist_len 50, flattened word list


def setup_inputs(seed: int = 0) -> dict:
    key = jax.random.key(seed)
    k1, k2 = jax.random.split(key)
    # Word-to-index lookup result: every word mapped into [0, VOCAB)
    indices = jax.random.randint(k1, (N_TOKENS,), 0, VOCAB, dtype=jnp.int32)
    # nn.Embedding weight table (default init ~ N(0,1))
    table = jax.random.normal(k2, (VOCAB, EMBED_DIM), dtype=jnp.float32)
    return {"indices": indices, "table": table}


def reference(indices, table):
    # Faithful translation of forward: the python-level word->idx mapping is
    # modeled by the precomputed lookup_tensor (indices); the embedding
    # lookup is a row gather from the table.
    output = jnp.take(table, indices, axis=0)
    return output

if __name__ == "__main__":
    import jax
    _d = setup_inputs()
    print(jax.jit(kernel)(*tuple(_d.values())))

</pallas_src>

<mosaic_0001>
#map = affine_map<(d0, d1) -> (0)>
#map1 = affine_map<(d0, d1) -> (0, 0)>
module attributes {stable_mosaic.version = 14 : i64} {
  func.func @_embed_body(%arg0: i32, %arg1: i32, %arg2: memref<819200xi32, #tpu.memory_space<hbm>>, %arg3: memref<1000002x32xf32, #tpu.memory_space<hbm>>, %arg4: memref<819200x32xf32, #tpu.memory_space<hbm>>, %arg5: memref<25600xi32, #tpu.memory_space<vmem>>, %arg6: memref<2x1280x32xf32, #tpu.memory_space<vmem>>, %arg7: memref<!tpu.dma_semaphore, #tpu.memory_space<semaphore_mem>>, %arg8: memref<!tpu.dma_semaphore, #tpu.memory_space<semaphore_mem>>, %arg9: memref<!tpu.dma_semaphore, #tpu.memory_space<semaphore_mem>>, %arg10: memref<!tpu.dma_semaphore, #tpu.memory_space<semaphore_mem>>) attributes {dimension_semantics = [#tpu.dimension_semantics<core_parallel>, #tpu.dimension_semantics<subcore_parallel>], iteration_bounds = array<i64: 2, 16>, scalar_prefetch = 0 : i64, scratch_operands = 6 : i64, tpu.core_type = #tpu.core_type<sc_vector_subcore>, window_params = [{transform_indices = #map}, {transform_indices = #map1}, {transform_indices = #map1}]} {
    %mul3A = arith.constant 2 : i32
    %mul3A_0 = arith.muli %arg1, %mul3A : i32
    %add3A = arith.addi %mul3A_0, %arg0 : i32
    %mul3A_1 = arith.constant 25600 : i32
    %mul3A_2 = arith.muli %add3A, %mul3A_1 : i32
    "tpu.region"() ({
      %run_scoped3A = tpu.sem_alloc : memref<!tpu.dma_semaphore, #tpu.memory_space<semaphore_mem>>
      %dma_start3A_226 = tpu.memref_slice %arg2[%mul3A_2] : memref<819200xi32, #tpu.memory_space<hbm>> -> memref<25600xi32, #tpu.memory_space<hbm>>
      %dma_start3A_227 = tpu.memref_slice %arg2[%mul3A_2] : memref<819200xi32, #tpu.memory_space<hbm>> -> memref<25600xi32, #tpu.memory_space<hbm>>
      tpu.enqueue_dma source(%dma_start3A_227 : memref<25600xi32, #tpu.memory_space<hbm>>) target(%arg5 : memref<25600xi32, #tpu.memory_space<vmem>>) target_semaphore(%run_scoped3A : memref<!tpu.dma_semaphore, #tpu.memory_space<semaphore_mem>>)
      %dma_wait3A_228 = tpu.memref_slice %arg2[%mul3A_2] : memref<819200xi32, #tpu.memory_space<hbm>> -> memref<25600xi32, #tpu.memory_space<hbm>>
      %dma_wait3A_229 = tpu.memref_slice %arg2[%mul3A_2] : memref<819200xi32, #tpu.memory_space<hbm>> -> memref<25600xi32, #tpu.memory_space<hbm>>
      tpu.wait_dma2 semaphore(%run_scoped3A : memref<!tpu.dma_semaphore, #tpu.memory_space<semaphore_mem>>) src(%dma_wait3A_229 : memref<25600xi32, #tpu.memory_space<hbm>>) dst(%arg5 : memref<25600xi32, #tpu.memory_space<vmem>>)
      tpu.yield
    }) : () -> ()
    %dma_start3A = arith.constant 0 : i32
    %dma_start3A_3 = arith.constant 0 : i32
    %dma_start3A_4 = arith.constant 0 : i32
    %dma_start3A_5 = tpu.memref_slice %arg6[%dma_start3A, %dma_start3A_3, %dma_start3A_4] : memref<2x1280x32xf32, #tpu.memory_space<vmem>> -> memref<1x1280x32xf32, #tpu.memory_space<vmem>>
    %dma_start3A_6 = tpu.memref_squeeze %dma_start3A_5 : memref<1x1280x32xf32, #tpu.memory_space<vmem>> -> memref<1280x32xf32, #tpu.memory_space<vmem>>
    %dma_start3A_7 = arith.constant 0 : i32
    %dma_start3A_8 = tpu.memref_slice %arg5[%dma_start3A_7] : memref<25600xi32, #tpu.memory_space<vmem>> -> memref<1280xi32, #tpu.memory_space<vmem>>
    %dma_start3A_9 = arith.constant 0 : i32
    %dma_start3A_10 = arith.constant 0 : i32
    %dma_start3A_11 = tpu.memref_slice %arg3[%dma_start3A_9, %dma_start3A_10] : memref<1000002x32xf32, #tpu.memory_space<hbm>> -> memref<1000002x32xf32, #tpu.memory_space<hbm>>
    tpu.enqueue_indirect_dma source(%dma_start3A_11 : memref<1000002x32xf32, #tpu.memory_space<hbm>>) target(%dma_start3A_6 : memref<1280x32xf32, #tpu.memory_space<vmem>>) offsets(%dma_start3A_8 : memref<1280xi32, #tpu.memory_space<vmem>>) semaphore(%arg7 : memref<!tpu.dma_semaphore, #tpu.memory_space<semaphore_mem>>)
    %dma_wait3A = arith.constant 0 : i32
    %dma_wait3A_12 = arith.constant 0 : i32
    %dma_wait3A_13 = arith.constant 0 : i32
    %dma_wait3A_14 = tpu.memref_slice %arg6[%dma_wait3A, %dma_wait3A_12, %dma_wait3A_13] : memref<2x1280x32xf32, #tpu.memory_space<vmem>> -> memref<1x1280x32xf32, #tpu.memory_space<vmem>>
    %dma_wait3A_15 = tpu.memref_squeeze %dma_wait3A_14 : memref<1x1280x32xf32, #tpu.memory_space<vmem>> -> memref<1280x32xf32, #tpu.memory_space<vmem>>
    %dma_wait3A_16 = arith.constant 0 : i32
    %dma_wait3A_17 = arith.constant 0 : i32
    %dma_wait3A_18 = tpu.memref_slice %arg3[%dma_wait3A_16, %dma_wait3A_17] : memref<1000002x32xf32, #tpu.memory_space<hbm>> -> memref<1280x32xf32, #tpu.memory_space<hbm>>
    %dma_wait3A_19 = arith.constant 0 : i32
    %dma_wait3A_20 = arith.constant 0 : i32
    %dma_wait3A_21 = tpu.memref_slice %arg6[%dma_wait3A, %dma_wait3A_19, %dma_wait3A_20] : memref<2x1280x32xf32, #tpu.memory_space<vmem>> -> memref<1x1280x32xf32, #tpu.memory_space<vmem>>
    %dma_wait3A_22 = tpu.memref_squeeze %dma_wait3A_21 : memref<1x1280x32xf32, #tpu.memory_space<vmem>> -> memref<1280x32xf32, #tpu.memory_space<vmem>>
    %dma_wait3A_23 = arith.constant 0 : i32
    %dma_wait3A_24 = arith.constant 0 : i32
    %dma_wait3A_25 = tpu.memref_slice %arg3[%dma_wait3A_23, %dma_wait3A_24] : memref<1000002x32xf32, #tpu.memory_space<hbm>> -> memref<1280x32xf32, #tpu.memory_space<hbm>>
    tpu.wait_dma2 semaphore(%arg7 : memref<!tpu.dma_semaphore, #tpu.memory_space<semaphore_mem>>) src(%dma_wait3A_25 : memref<1280x32xf32, #tpu.memory_space<hbm>>) dst(%dma_wait3A_22 : memref<1280x32xf32, #tpu.memory_space<vmem>>)
    %dma_start3A_26 = arith.constant 1 : i32
    %dma_start3A_27 = arith.constant 0 : i32
    %dma_start3A_28 = arith.constant 0 : i32
    %dma_start3A_29 = tpu.memref_slice %arg6[%dma_start3A_26, %dma_start3A_27, %dma_start3A_28] : memref<2x1280x32xf32, #tpu.memory_space<vmem>> -> memref<1x1280x32xf32, #tpu.memory_space<vmem>>
    %dma_start3A_30 = tpu.memref_squeeze %dma_start3A_29 : memref<1x1280x32xf32, #tpu.memory_space<vmem>> -> memref<1280x32xf32, #tpu.memory_space<vmem>>
    %dma_start3A_31 = arith.constant 1280 : i32
    %dma_start3A_32 = tpu.memref_slice %arg5[%dma_start3A_31] : memref<25600xi32, #tpu.memory_space<vmem>> -> memref<1280xi32, #tpu.memory_space<vmem>>
    %dma_start3A_33 = arith.constant 0 : i32
    %dma_start3A_34 = arith.constant 0 : i32
    %dma_start3A_35 = tpu.memref_slice %arg3[%dma_start3A_33, %dma_start3A_34] : memref<1000002x32xf32, #tpu.memory_space<hbm>> -> memref<1000002x32xf32, #tpu.memory_space<hbm>>
    tpu.enqueue_indirect_dma source(%dma_start3A_35 : memref<1000002x32xf32, #tpu.memory_space<hbm>>) target(%dma_start3A_30 : memref<1280x32xf32, #tpu.memory_space<vmem>>) offsets(%dma_start3A_32 : memref<1280xi32, #tpu.memory_space<vmem>>) semaphore(%arg8 : memref<!tpu.dma_semaphore, #tpu.memory_space<semaphore_mem>>)
    %add3A_36 = arith.constant 0 : i32
    %add3A_37 = arith.addi %mul3A_2, %add3A_36 : i32
    %dma_start3A_38 = arith.constant 0 : i32
    %dma_start3A_39 = arith.constant 0 : i32
    %dma_start3A_40 = arith.constant 0 : i32
    %dma_start3A_41 = tpu.memref_slice %arg6[%dma_start3A_38, %dma_start3A_39, %dma_start3A_40] : memref<2x1280x32xf32, #tpu.memory_space<vmem>> -> memref<1x1280x32xf32, #tpu.memory_space<vmem>>
    %dma_start3A_42 = tpu.memref_squeeze %dma_start3A_41 : memref<1x1280x32xf32, #tpu.memory_space<vmem>> -> memref<1280x32xf32, #tpu.memory_space<vmem>>
    %dma_start3A_43 = arith.constant 0 : i32
    %dma_start3A_44 = tpu.memref_slice %arg4[%add3A_37, %dma_start3A_43] : memref<819200x32xf32, #tpu.memory_space<hbm>> -> memref<1280x32xf32, #tpu.memory_space<hbm>>
    %dma_start3A_45 = arith.constant 0 : i32
    %dma_start3A_46 = tpu.memref_slice %arg4[%add3A_37, %dma_start3A_45] : memref<819200x32xf32, #tpu.memory_space<hbm>> -> memref<1280x32xf32, #tpu.memory_space<hbm>>
    %dma_start3A_47 = arith.constant 0 : i32
    %dma_start3A_48 = arith.constant 0 : i32
    %dma_start3A_49 = tpu.memref_slice %arg6[%dma_start3A_38, %dma_start3A_47, %dma_start3A_48] : memref<2x1280x32xf32, #tpu.memory_space<vmem>> -> memref<1x1280x32xf32, #tpu.memory_space<vmem>>
    %dma_start3A_50 = tpu.memref_squeeze %dma_start3A_49 : memref<1x1280x32xf32, #tpu.memory_space<vmem>> -> memref<1280x32xf32, #tpu.memory_space<vmem>>
    tpu.enqueue_dma source(%dma_start3A_50 : memref<1280x32xf32, #tpu.memory_space<vmem>>) target(%dma_start3A_46 : memref<1280x32xf32, #tpu.memory_space<hbm>>) target_semaphore(%arg9 : memref<!tpu.dma_semaphore, #tpu.memory_space<semaphore_mem>>)
    %dma_wait3A_51 = arith.constant 1 : i32
    %dma_wait3A_52 = arith.constant 0 : i32
    %dma_wait3A_53 = arith.constant 0 : i32
    %dma_wait3A_54 = tpu.memref_slice %arg6[%dma_wait3A_51, %dma_wait3A_52, %dma_wait3A_53] : memref<2x1280x32xf32, #tpu.memory_space<vmem>> -> memref<1x1280x32xf32, #tpu.memory_space<vmem>>
    %dma_wait3A_55 = tpu.memref_squeeze %dma_wait3A_54 : memref<1x1280x32xf32, #tpu.memory_space<vmem>> -> memref<1280x32xf32, #tpu.memory_space<vmem>>
    %dma_wait3A_56 = arith.constant 0 : i32
    %dma_wait3A_57 = arith.constant 0 : i32
    %dma_wait3A_58 = tpu.memref_slice %arg3[%dma_wait3A_56, %dma_wait3A_57] : memref<1000002x32xf32, #tpu.memory_space<hbm>> -> memref<1280x32xf32, #tpu.memory_space<hbm>>
    %dma_wait3A_59 = arith.constant 0 : i32
    %dma_wait3A_60 = arith.constant 0 : i32
    %dma_wait3A_61 = tpu.memref_slice %arg6[%dma_wait3A_51, %dma_wait3A_59, %dma_wait3A_60] : memref<2x1280x32xf32, #tpu.memory_space<vmem>> -> memref<1x1280x32xf32, #tpu.memory_space<vmem>>
    %dma_wait3A_62 = tpu.memref_squeeze %dma_wait3A_61 : memref<1x1280x32xf32, #tpu.memory_space<vmem>> -> memref<1280x32xf32, #tpu.memory_space<vmem>>
    %dma_wait3A_63 = arith.constant 0 : i32
    %dma_wait3A_64 = arith.constant 0 : i32
    %dma_wait3A_65 = tpu.memref_slice %arg3[%dma_wait3A_63, %dma_wait3A_64] : memref<1000002x32xf32, #tpu.memory_space<hbm>> -> memref<1280x32xf32, #tpu.memory_space<hbm>>
    tpu.wait_dma2 semaphore(%arg8 : memref<!tpu.dma_semaphore, #tpu.memory_space<semaphore_mem>>) src(%dma_wait3A_65 : memref<1280x32xf32, #tpu.memory_space<hbm>>) dst(%dma_wait3A_62 : memref<1280x32xf32, #tpu.memory_space<vmem>>)
    %dma_start3A_66 = arith.constant 0 : i32
    %dma_start3A_67 = arith.constant 0 : i32
    %dma_start3A_68 = arith.constant 0 : i32
    %dma_start3A_69 = tpu.memref_slice %arg6[%dma_start3A_66, %dma_start3A_67, %dma_start3A_68] : memref<2x1280x32xf32, #tpu.memory_space<vmem>> -> memref<1x1280x32xf32, #tpu.memory_space<vmem>>
    %dma_start3A_70 = tpu.memref_squeeze %dma_start3A_69 : memref<1x1280x32xf32, #tpu.memory_space<vmem>> -> memref<1280x32xf32, #tpu.memory_space<vmem>>
    %dma_start3A_71 = arith.constant 2560 : i32
    %dma_start3A_72 = tpu.memref_slice %arg5[%dma_start3A_71] : memref<25600xi32, #tpu.memory_space<vmem>> -> memref<1280xi32, #tpu.memory_space<vmem>>
    %dma_start3A_73 = arith.constant 0 : i32
    %dma_start3A_74 = arith.constant 0 : i32
    %dma_start3A_75 = tpu.memref_slice %arg3[%dma_start3A_73, %dma_start3A_74] : memref<1000002x32xf32, #tpu.memory_space<hbm>> -> memref<1000002x32xf32, #tpu.memory_space<hbm>>
    tpu.enqueue_indirect_dma source(%dma_start3A_75 : memref<1000002x32xf32, #tpu.memory_space<hbm>>) target(%dma_start3A_70 : memref<1280x32xf32, #tpu.memory_space<vmem>>) offsets(%dma_start3A_72 : memref<1280xi32, #tpu.memory_space<vmem>>) semaphore(%arg7 : memref<!tpu.dma_semaphore, #tpu.memory_space<semaphore_mem>>)
    %add3A_76 = arith.constant 1280 : i32
    %add3A_77 = arith.addi %mul3A_2, %add3A_76 : i32
    %dma_start3A_78 = arith.constant 1 : i32
    %dma_start3A_79 = arith.constant 0 : i32
    %dma_start3A_80 = arith.constant 0 : i32
    %dma_start3A_81 = tpu.memref_slice %arg6[%dma_start3A_78, %dma_start3A_79, %dma_start3A_80] : memref<2x1280x32xf32, #tpu.memory_space<vmem>> -> memref<1x1280x32xf32, #tpu.memory_space<vmem>>
    %dma_start3A_82 = tpu.memref_squeeze %dma_start3A_81 : memref<1x1280x32xf32, #tpu.memory_space<vmem>> -> memref<1280x32xf32, #tpu.memory_space<vmem>>
    %dma_start3A_83 = arith.constant 0 : i32
    %dma_start3A_84 = tpu.memref_slice %arg4[%add3A_77, %dma_start3A_83] : memref<819200x32xf32, #tpu.memory_space<hbm>> -> memref<1280x32xf32, #tpu.memory_space<hbm>>
    %dma_start3A_85 = arith.constant 0 : i32
    %dma_start3A_86 = tpu.memref_slice %arg4[%add3A_77, %dma_start3A_85] : memref<819200x32xf32, #tpu.memory_space<hbm>> -> memref<1280x32xf32, #tpu.memory_space<hbm>>
    %dma_start3A_87 = arith.constant 0 : i32
    %dma_start3A_88 = arith.constant 0 : i32
    %dma_start3A_89 = tpu.memref_slice %arg6[%dma_start3A_78, %dma_start3A_87, %dma_start3A_88] : memref<2x1280x32xf32, #tpu.memory_space<vmem>> -> memref<1x1280x32xf32, #tpu.memory_space<vmem>>
    %dma_start3A_90 = tpu.memref_squeeze %dma_start3A_89 : memref<1x1280x32xf32, #tpu.memory_space<vmem>> -> memref<1280x32xf32, #tpu.memory_space<vmem>>
    tpu.enqueue_dma source(%dma_start3A_90 : memref<1280x32xf32, #tpu.memory_space<vmem>>) target(%dma_start3A_86 : memref<1280x32xf32, #tpu.memory_space<hbm>>) target_semaphore(%arg10 : memref<!tpu.dma_semaphore, #tpu.memory_space<semaphore_mem>>)
    %dma_wait3A_91 = arith.constant 0 : i32
    %dma_wait3A_92 = arith.constant 0 : i32
    %dma_wait3A_93 = arith.constant 0 : i32
    %dma_wait3A_94 = tpu.memref_slice %arg6[%dma_wait3A_91, %dma_wait3A_92, %dma_wait3A_93] : memref<2x1280x32xf32, #tpu.memory_space<vmem>> -> memref<1x1280x32xf32, #tpu.memory_space<vmem>>
    %dma_wait3A_95 = tpu.memref_squeeze %dma_wait3A_94 : memref<1x1280x32xf32, #tpu.memory_space<vmem>> -> memref<1280x32xf32, #tpu.memory_space<vmem>>
    %dma_wait3A_96 = arith.constant 0 : i32
    %dma_wait3A_97 = arith.constant 0 : i32
    %dma_wait3A_98 = tpu.memref_slice %arg3[%dma_wait3A_96, %dma_wait3A_97] : memref<1000002x32xf32, #tpu.memory_space<hbm>> -> memref<1280x32xf32, #tpu.memory_space<hbm>>
    %dma_wait3A_99 = arith.constant 0 : i32
    %dma_wait3A_100 = arith.constant 0 : i32
    %dma_wait3A_101 = tpu.memref_slice %arg6[%dma_wait3A_91, %dma_wait3A_99, %dma_wait3A_100] : memref<2x1280x32xf32, #tpu.memory_space<vmem>> -> memref<1x1280x32xf32, #tpu.memory_space<vmem>>
    %dma_wait3A_102 = tpu.memref_squeeze %dma_wait3A_101 : memref<1x1280x32xf32, #tpu.memory_space<vmem>> -> memref<1280x32xf32, #tpu.memory_space<vmem>>
    %dma_wait3A_103 = arith.constant 0 : i32
    %dma_wait3A_104 = arith.constant 0 : i32
    %dma_wait3A_105 = tpu.memref_slice %arg3[%dma_wait3A_103, %dma_wait3A_104] : memref<1000002x32xf32, #tpu.memory_space<hbm>> -> memref<1280x32xf32, #tpu.memory_space<hbm>>
    tpu.wait_dma2 semaphore(%arg7 : memref<!tpu.dma_semaphore, #tpu.memory_space<semaphore_mem>>) src(%dma_wait3A_105 : memref<1280x32xf32, #tpu.memory_space<hbm>>) dst(%dma_wait3A_102 : memref<1280x32xf32, #tpu.memory_space<vmem>>)
    %dma_start3A_106 = arith.constant 1 : i32
    %dma_start3A_107 = arith.constant 0 : i32
    %dma_start3A_108 = arith.constant 0 : i32
    %dma_start3A_109 = tpu.memref_slice %arg6[%dma_start3A_106, %dma_start3A_107, %dma_start3A_108] : memref<2x1280x32xf32, #tpu.memory_space<vmem>> -> memref<1x1280x32xf32, #tpu.memory_space<vmem>>
    %dma_start3A_110 = tpu.memref_squeeze %dma_start3A_109 : memref<1x1280x32xf32, #tpu.memory_space<vmem>> -> memref<1280x32xf32, #tpu.memory_space<vmem>>
    %dma_start3A_111 = arith.constant 3840 : i32
    %dma_start3A_112 = tpu.memref_slice %arg5[%dma_start3A_111] : memref<25600xi32, #tpu.memory_space<vmem>> -> memref<1280xi32, #tpu.memory_space<vmem>>
    %dma_start3A_113 = arith.constant 0 : i32
    %dma_start3A_114 = arith.constant 0 : i32
    %dma_start3A_115 = tpu.memref_slice %arg3[%dma_start3A_113, %dma_start3A_114] : memref<1000002x32xf32, #tpu.memory_space<hbm>> -> memref<1000002x32xf32, #tpu.memory_space<hbm>>
    tpu.enqueue_indirect_dma source(%dma_start3A_115 : memref<1000002x32xf32, #tpu.memory_space<hbm>>) target(%dma_start3A_110 : memref<1280x32xf32, #tpu.memory_space<vmem>>) offsets(%dma_start3A_112 : memref<1280xi32, #tpu.memory_space<vmem>>) semaphore(%arg8 : memref<!tpu.dma_semaphore, #tpu.memory_space<semaphore_mem>>)
    %dma_wait3A_116 = arith.constant 0 : i32
    %dma_wait3A_117 = arith.constant 0 : i32
    %dma_wait3A_118 = arith.constant 0 : i32
    %dma_wait3A_119 = tpu.memref_slice %arg6[%dma_wait3A_116, %dma_wait3A_117, %dma_wait3A_118] : memref<2x1280x32xf32, #tpu.memory_space<vmem>> -> memref<1x1280x32xf32, #tpu.memory_space<vmem>>
    %dma_wait3A_120 = tpu.memref_squeeze %dma_wait3A_119 : memref<1x1280x32xf32, #tpu.memory_space<vmem>> -> memref<1280x32xf32, #tpu.memory_space<vmem>>
    %dma_wait3A_121 = arith.constant 0 : i32
    %dma_wait3A_122 = arith.constant 0 : i32
    %dma_wait3A_123 = tpu.memref_slice %arg4[%dma_wait3A_121, %dma_wait3A_122] : memref<819200x32xf32, #tpu.memory_space<hbm>> -> memref<1280x32xf32, #tpu.memory_space<hbm>>
    %dma_wait3A_124 = arith.constant 0 : i32
    %dma_wait3A_125 = arith.constant 0 : i32
    %dma_wait3A_126 = tpu.memref_slice %arg6[%dma_wait3A_116, %dma_wait3A_124, %dma_wait3A_125] : memref<2x1280x32xf32, #tpu.memory_space<vmem>> -> memref<1x1280x32xf32, #tpu.memory_space<vmem>>
    %dma_wait3A_127 = tpu.memref_squeeze %dma_wait3A_126 : memref<1x1280x32xf32, #tpu.memory_space<vmem>> -> memref<1280x32xf32, #tpu.memory_space<vmem>>
    %dma_wait3A_128 = arith.constant 0 : i32
    %dma_wait3A_129 = arith.constant 0 : i32
    %dma_wait3A_130 = tpu.memref_slice %arg4[%dma_wait3A_128, %dma_wait3A_129] : memref<819200x32xf32, #tpu.memory_space<hbm>> -> memref<1280x32xf32, #tpu.memory_space<hbm>>
    tpu.wait_dma2 semaphore(%arg9 : memref<!tpu.dma_semaphore, #tpu.memory_space<semaphore_mem>>) src(%dma_wait3A_130 : memref<1280x32xf32, #tpu.memory_space<hbm>>) dst(%dma_wait3A_127 : memref<1280x32xf32, #tpu.memory_space<vmem>>)
    %add3A_131 = arith.constant 2560 : i32
    %add3A_132 = arith.addi %mul3A_2, %add3A_131 : i32
    %dma_start3A_133 = arith.constant 0 : i32
    %dma_start3A_134 = arith.constant 0 : i32
    %dma_start3A_135 = arith.constant 0 : i32
    %dma_start3A_136 = tpu.memref_slice %arg6[%dma_start3A_133, %dma_start3A_134, %dma_start3A_135] : memref<2x1280x32xf32, #tpu.memory_space<vmem>> -> memref<1x1280x32xf32, #tpu.memory_space<vmem>>
    %dma_start3A_137 = tpu.memref_squeeze %dma_start3A_136 : memref<1x1280x32xf32, #tpu.memory_space<vmem>> -> memref<1280x32xf32, #tpu.memory_space<vmem>>
    %dma_start3A_138 = arith.constant 0 : i32
    %dma_start3A_139 = tpu.memref_slice %arg4[%add3A_132, %dma_start3A_138] : memref<819200x32xf32, #tpu.memory_space<hbm>> -> memref<1280x32xf32, #tpu.memory_space<hbm>>
    %dma_start3A_140 = arith.constant 0 : i32
    %dma_start3A_141 = tpu.memref_slice %arg4[%add3A_132, %dma_start3A_140] : memref<819200x32xf32, #tpu.memory_space<hbm>> -> memref<1280x32xf32, #tpu.memory_space<hbm>>
    %dma_start3A_142 = arith.constant 0 : i32
    %dma_start3A_143 = arith.constant 0 : i32
    %dma_start3A_144 = tpu.memref_slice %arg6[%dma_start3A_133, %dma_start3A_142, %dma_start3A_143] : memref<2x1280x32xf32, #tpu.memory_space<vmem>> -> memref<1x1280x32xf32, #tpu.memory_space<vmem>>
    %dma_start3A_145 = tpu.memref_squeeze %dma_start3A_144 : memref<1x1280x32xf32, #tpu.memory_space<vmem>> -> memref<1280x32xf32, #tpu.memory_space<vmem>>
    tpu.enqueue_dma source(%dma_start3A_145 : memref<1280x32xf32, #tpu.memory_space<vmem>>) target(%dma_start3A_141 : memref<1280x32xf32, #tpu.memory_space<hbm>>) target_semaphore(%arg9 : memref<!tpu.dma_semaphore, #tpu.memory_space<semaphore_mem>>)
    %scan3A = arith.constant 0 : i32
    %scan3A_146 = arith.constant 0 : i32
    %scan3A_147 = arith.constant 8 : i32
    %scan3A_148 = arith.addi %scan3A_146, %scan3A_147 : i32
    %scan3A_149 = arith.constant 1 : i32
    scf.for %scan3A_226 = %scan3A_146 to %scan3A_148 step %scan3A_149  : i32 {
      %mul3A_227 = arith.constant 2 : i32
      %mul3A_228 = arith.muli %mul3A_227, %scan3A_226 : i32
      %add3A_229 = arith.constant 3 : i32
      %add3A_230 = arith.addi %add3A_229, %mul3A_228 : i32
      %dma_wait3A_231 = arith.constant 1 : i32
      %dma_wait3A_232 = arith.constant 0 : i32
      %dma_wait3A_233 = arith.constant 0 : i32
      %dma_wait3A_234 = tpu.memref_slice %arg6[%dma_wait3A_231, %dma_wait3A_232, %dma_wait3A_233] : memref<2x1280x32xf32, #tpu.memory_space<vmem>> -> memref<1x1280x32xf32, #tpu.memory_space<vmem>>
      %dma_wait3A_235 = tpu.memref_squeeze %dma_wait3A_234 : memref<1x1280x32xf32, #tpu.memory_space<vmem>> -> memref<1280x32xf32, #tpu.memory_space<vmem>>
      %dma_wait3A_236 = arith.constant 0 : i32
      %dma_wait3A_237 = arith.constant 0 : i32
      %dma_wait3A_238 = tpu.memref_slice %arg3[%dma_wait3A_236, %dma_wait3A_237] : memref<1000002x32xf32, #tpu.memory_space<hbm>> -> memref<1280x32xf32, #tpu.memory_space<hbm>>
      %dma_wait3A_239 = arith.constant 0 : i32
      %dma_wait3A_240 = arith.constant 0 : i32
      %dma_wait3A_241 = tpu.memref_slice %arg6[%dma_wait3A_231, %dma_wait3A_239, %dma_wait3A_240] : memref<2x1280x32xf32, #tpu.memory_space<vmem>> -> memref<1x1280x32xf32, #tpu.memory_space<vmem>>
      %dma_wait3A_242 = tpu.memref_squeeze %dma_wait3A_241 : memref<1x1280x32xf32, #tpu.memory_space<vmem>> -> memref<1280x32xf32, #tpu.memory_space<vmem>>
      %dma_wait3A_243 = arith.constant 0 : i32
      %dma_wait3A_244 = arith.constant 0 : i32
      %dma_wait3A_245 = tpu.memref_slice %arg3[%dma_wait3A_243, %dma_wait3A_244] : memref<1000002x32xf32, #tpu.memory_space<hbm>> -> memref<1280x32xf32, #tpu.memory_space<hbm>>
      tpu.wait_dma2 semaphore(%arg8 : memref<!tpu.dma_semaphore, #tpu.memory_space<semaphore_mem>>) src(%dma_wait3A_245 : memref<1280x32xf32, #tpu.memory_space<hbm>>) dst(%dma_wait3A_242 : memref<1280x32xf32, #tpu.memory_space<vmem>>)
      %add3A_246 = arith.constant 1 : i32
      %add3A_247 = arith.addi %add3A_230, %add3A_246 : i32
      %mul3A_248 = arith.constant 1280 : i32
      %mul3A_249 = arith.muli %add3A_247, %mul3A_248 : i32
      %dma_start3A_250 = arith.constant 0 : i32
      %dma_start3A_251 = arith.constant 0 : i32
      %dma_start3A_252 = arith.constant 0 : i32
      %dma_start3A_253 = tpu.memref_slice %arg6[%dma_start3A_250, %dma_start3A_251, %dma_start3A_252] : memref<2x1280x32xf32, #tpu.memory_space<vmem>> -> memref<1x1280x32xf32, #tpu.memory_space<vmem>>
      %dma_start3A_254 = tpu.memref_squeeze %dma_start3A_253 : memref<1x1280x32xf32, #tpu.memory_space<vmem>> -> memref<1280x32xf32, #tpu.memory_space<vmem>>
      %dma_start3A_255 = tpu.memref_slice %arg5[%mul3A_249] : memref<25600xi32, #tpu.memory_space<vmem>> -> memref<1280xi32, #tpu.memory_space<vmem>>
      %dma_start3A_256 = arith.constant 0 : i32
      %dma_start3A_257 = arith.constant 0 : i32
      %dma_start3A_258 = tpu.memref_slice %arg3[%dma_start3A_256, %dma_start3A_257] : memref<1000002x32xf32, #tpu.memory_space<hbm>> -> memref<1000002x32xf32, #tpu.memory_space<hbm>>
      tpu.enqueue_indirect_dma source(%dma_start3A_258 : memref<1000002x32xf32, #tpu.memory_space<hbm>>) target(%dma_start3A_254 : memref<1280x32xf32, #tpu.memory_space<vmem>>) offsets(%dma_start3A_255 : memref<1280xi32, #tpu.memory_space<vmem>>) semaphore(%arg7 : memref<!tpu.dma_semaphore, #tpu.memory_space<semaphore_mem>>)
      %dma_wait3A_259 = arith.constant 1 : i32
      %dma_wait3A_260 = arith.constant 0 : i32
      %dma_wait3A_261 = arith.constant 0 : i32
      %dma_wait3A_262 = tpu.memref_slice %arg6[%dma_wait3A_259, %dma_wait3A_260, %dma_wait3A_261] : memref<2x1280x32xf32, #tpu.memory_space<vmem>> -> memref<1x1280x32xf32, #tpu.memory_space<vmem>>
      %dma_wait3A_263 = tpu.memref_squeeze %dma_wait3A_262 : memref<1x1280x32xf32, #tpu.memory_space<vmem>> -> memref<1280x32xf32, #tpu.memory_space<vmem>>
      %dma_wait3A_264 = arith.constant 0 : i32
      %dma_wait3A_265 = arith.constant 0 : i32
      %dma_wait3A_266 = tpu.memref_slice %arg4[%dma_wait3A_264, %dma_wait3A_265] : memref<819200x32xf32, #tpu.memory_space<hbm>> -> memref<1280x32xf32, #tpu.memory_space<hbm>>
      %dma_wait3A_267 = arith.constant 0 : i32
      %dma_wait3A_268 = arith.constant 0 : i32
      %dma_wait3A_269 = tpu.memref_slice %arg6[%dma_wait3A_259, %dma_wait3A_267, %dma_wait3A_268] : memref<2x1280x32xf32, #tpu.memory_space<vmem>> -> memref<1x1280x32xf32, #tpu.memory_space<vmem>>
      %dma_wait3A_270 = tpu.memref_squeeze %dma_wait3A_269 : memref<1x1280x32xf32, #tpu.memory_space<vmem>> -> memref<1280x32xf32, #tpu.memory_space<vmem>>
      %dma_wait3A_271 = arith.constant 0 : i32
      %dma_wait3A_272 = arith.constant 0 : i32
      %dma_wait3A_273 = tpu.memref_slice %arg4[%dma_wait3A_271, %dma_wait3A_272] : memref<819200x32xf32, #tpu.memory_space<hbm>> -> memref<1280x32xf32, #tpu.memory_space<hbm>>
      tpu.wait_dma2 semaphore(%arg10 : memref<!tpu.dma_semaphore, #tpu.memory_space<semaphore_mem>>) src(%dma_wait3A_273 : memref<1280x32xf32, #tpu.memory_space<hbm>>) dst(%dma_wait3A_270 : memref<1280x32xf32, #tpu.memory_space<vmem>>)
      %mul3A_274 = arith.constant 1280 : i32
      %mul3A_275 = arith.muli %add3A_230, %mul3A_274 : i32
      %add3A_276 = arith.addi %mul3A_2, %mul3A_275 : i32
      %dma_start3A_277 = arith.constant 1 : i32
      %dma_start3A_278 = arith.constant 0 : i32
      %dma_start3A_279 = arith.constant 0 : i32
      %dma_start3A_280 = tpu.memref_slice %arg6[%dma_start3A_277, %dma_start3A_278, %dma_start3A_279] : memref<2x1280x32xf32, #tpu.memory_space<vmem>> -> memref<1x1280x32xf32, #tpu.memory_space<vmem>>
      %dma_start3A_281 = tpu.memref_squeeze %dma_start3A_280 : memref<1x1280x32xf32, #tpu.memory_space<vmem>> -> memref<1280x32xf32, #tpu.memory_space<vmem>>
      %dma_start3A_282 = arith.constant 0 : i32
      %dma_start3A_283 = tpu.memref_slice %arg4[%add3A_276, %dma_start3A_282] : memref<819200x32xf32, #tpu.memory_space<hbm>> -> memref<1280x32xf32, #tpu.memory_space<hbm>>
      %dma_start3A_284 = arith.constant 0 : i32
      %dma_start3A_285 = tpu.memref_slice %arg4[%add3A_276, %dma_start3A_284] : memref<819200x32xf32, #tpu.memory_space<hbm>> -> memref<1280x32xf32, #tpu.memory_space<hbm>>
      %dma_start3A_286 = arith.constant 0 : i32
      %dma_start3A_287 = arith.constant 0 : i32
      %dma_start3A_288 = tpu.memref_slice %arg6[%dma_start3A_277, %dma_start3A_286, %dma_start3A_287] : memref<2x1280x32xf32, #tpu.memory_space<vmem>> -> memref<1x1280x32xf32, #tpu.memory_space<vmem>>
      %dma_start3A_289 = tpu.memref_squeeze %dma_start3A_288 : memref<1x1280x32xf32, #tpu.memory_space<vmem>> -> memref<1280x32xf32, #tpu.memory_space<vmem>>
      tpu.enqueue_dma source(%dma_start3A_289 : memref<1280x32xf32, #tpu.memory_space<vmem>>) target(%dma_start3A_285 : memref<1280x32xf32, #tpu.memory_space<hbm>>) target_semaphore(%arg10 : memref<!tpu.dma_semaphore, #tpu.memory_space<semaphore_mem>>)
      %mul3A_290 = arith.constant 2 : i32
      %mul3A_291 = arith.muli %mul3A_290, %scan3A_226 : i32
      %add3A_292 = arith.constant 4 : i32
      %add3A_293 = arith.addi %add3A_292, %mul3A_291 : i32
      %dma_wait3A_294 = arith.constant 0 : i32
      %dma_wait3A_295 = arith.constant 0 : i32
      %dma_wait3A_296 = arith.constant 0 : i32
      %dma_wait3A_297 = tpu.memref_slice %arg6[%dma_wait3A_294, %dma_wait3A_295, %dma_wait3A_296] : memref<2x1280x32xf32, #tpu.memory_space<vmem>> -> memref<1x1280x32xf32, #tpu.memory_space<vmem>>
      %dma_wait3A_298 = tpu.memref_squeeze %dma_wait3A_297 : memref<1x1280x32xf32, #tpu.memory_space<vmem>> -> memref<1280x32xf32, #tpu.memory_space<vmem>>
      %dma_wait3A_299 = arith.constant 0 : i32
      %dma_wait3A_300 = arith.constant 0 : i32
      %dma_wait3A_301 = tpu.memref_slice %arg3[%dma_wait3A_299, %dma_wait3A_300] : memref<1000002x32xf32, #tpu.memory_space<hbm>> -> memref<1280x32xf32, #tpu.memory_space<hbm>>
      %dma_wait3A_302 = arith.constant 0 : i32
      %dma_wait3A_303 = arith.constant 0 : i32
      %dma_wait3A_304 = tpu.memref_slice %arg6[%dma_wait3A_294, %dma_wait3A_302, %dma_wait3A_303] : memref<2x1280x32xf32, #tpu.memory_space<vmem>> -> memref<1x1280x32xf32, #tpu.memory_space<vmem>>
      %dma_wait3A_305 = tpu.memref_squeeze %dma_wait3A_304 : memref<1x1280x32xf32, #tpu.memory_space<vmem>> -> memref<1280x32xf32, #tpu.memory_space<vmem>>
      %dma_wait3A_306 = arith.constant 0 : i32
      %dma_wait3A_307 = arith.constant 0 : i32
      %dma_wait3A_308 = tpu.memref_slice %arg3[%dma_wait3A_306, %dma_wait3A_307] : memref<1000002x32xf32, #tpu.memory_space<hbm>> -> memref<1280x32xf32, #tpu.memory_space<hbm>>
      tpu.wait_dma2 semaphore(%arg7 : memref<!tpu.dma_semaphore, #tpu.memory_space<semaphore_mem>>) src(%dma_wait3A_308 : memref<1280x32xf32, #tpu.memory_space<hbm>>) dst(%dma_wait3A_305 : memref<1280x32xf32, #tpu.memory_space<vmem>>)
      %add3A_309 = arith.constant 1 : i32
      %add3A_310 = arith.addi %add3A_293, %add3A_309 : i32
      %mul3A_311 = arith.constant 1280 : i32
      %mul3A_312 = arith.muli %add3A_310, %mul3A_311 : i32
      %dma_start3A_313 = arith.constant 1 : i32
      %dma_start3A_314 = arith.constant 0 : i32
      %dma_start3A_315 = arith.constant 0 : i32
      %dma_start3A_316 = tpu.memref_slice %arg6[%dma_start3A_313, %dma_start3A_314, %dma_start3A_315] : memref<2x1280x32xf32, #tpu.memory_space<vmem>> -> memref<1x1280x32xf32, #tpu.memory_space<vmem>>
      %dma_start3A_317 = tpu.memref_squeeze %dma_start3A_316 : memref<1x1280x32xf32, #tpu.memory_space<vmem>> -> memref<1280x32xf32, #tpu.memory_space<vmem>>
      %dma_start3A_318 = tpu.memref_slice %arg5[%mul3A_312] : memref<25600xi32, #tpu.memory_space<vmem>> -> memref<1280xi32, #tpu.memory_space<vmem>>
      %dma_start3A_319 = arith.constant 0 : i32
      %dma_start3A_320 = arith.constant 0 : i32
      %dma_start3A_321 = tpu.memref_slice %arg3[%dma_start3A_319, %dma_start3A_320] : memref<1000002x32xf32, #tpu.memory_space<hbm>> -> memref<1000002x32xf32, #tpu.memory_space<hbm>>
      tpu.enqueue_indirect_dma source(%dma_start3A_321 : memref<1000002x32xf32, #tpu.memory_space<hbm>>) target(%dma_start3A_317 : memref<1280x32xf32, #tpu.memory_space<vmem>>) offsets(%dma_start3A_318 : memref<1280xi32, #tpu.memory_space<vmem>>) semaphore(%arg8 : memref<!tpu.dma_semaphore, #tpu.memory_space<semaphore_mem>>)
      %dma_wait3A_322 = arith.constant 0 : i32
      %dma_wait3A_323 = arith.constant 0 : i32
      %dma_wait3A_324 = arith.constant 0 : i32
      %dma_wait3A_325 = tpu.memref_slice %arg6[%dma_wait3A_322, %dma_wait3A_323, %dma_wait3A_324] : memref<2x1280x32xf32, #tpu.memory_space<vmem>> -> memref<1x1280x32xf32, #tpu.memory_space<vmem>>
      %dma_wait3A_326 = tpu.memref_squeeze %dma_wait3A_325 : memref<1x1280x32xf32, #tpu.memory_space<vmem>> -> memref<1280x32xf32, #tpu.memory_space<vmem>>
      %dma_wait3A_327 = arith.constant 0 : i32
      %dma_wait3A_328 = arith.constant 0 : i32
      %dma_wait3A_329 = tpu.memref_slice %arg4[%dma_wait3A_327, %dma_wait3A_328] : memref<819200x32xf32, #tpu.memory_space<hbm>> -> memref<1280x32xf32, #tpu.memory_space<hbm>>
      %dma_wait3A_330 = arith.constant 0 : i32
      %dma_wait3A_331 = arith.constant 0 : i32
      %dma_wait3A_332 = tpu.memref_slice %arg6[%dma_wait3A_322, %dma_wait3A_330, %dma_wait3A_331] : memref<2x1280x32xf32, #tpu.memory_space<vmem>> -> memref<1x1280x32xf32, #tpu.memory_space<vmem>>
      %dma_wait3A_333 = tpu.memref_squeeze %dma_wait3A_332 : memref<1x1280x32xf32, #tpu.memory_space<vmem>> -> memref<1280x32xf32, #tpu.memory_space<vmem>>
      %dma_wait3A_334 = arith.constant 0 : i32
      %dma_wait3A_335 = arith.constant 0 : i32
      %dma_wait3A_336 = tpu.memref_slice %arg4[%dma_wait3A_334, %dma_wait3A_335] : memref<819200x32xf32, #tpu.memory_space<hbm>> -> memref<1280x32xf32, #tpu.memory_space<hbm>>
      tpu.wait_dma2 semaphore(%arg9 : memref<!tpu.dma_semaphore, #tpu.memory_space<semaphore_mem>>) src(%dma_wait3A_336 : memref<1280x32xf32, #tpu.memory_space<hbm>>) dst(%dma_wait3A_333 : memref<1280x32xf32, #tpu.memory_space<vmem>>)
      %mul3A_337 = arith.constant 1280 : i32
      %mul3A_338 = arith.muli %add3A_293, %mul3A_337 : i32
      %add3A_339 = arith.addi %mul3A_2, %mul3A_338 : i32
      %dma_start3A_340 = arith.constant 0 : i32
      %dma_start3A_341 = arith.constant 0 : i32
      %dma_start3A_342 = arith.constant 0 : i32
      %dma_start3A_343 = tpu.memref_slice %arg6[%dma_start3A_340, %dma_start3A_341, %dma_start3A_342] : memref<2x1280x32xf32, #tpu.memory_space<vmem>> -> memref<1x1280x32xf32, #tpu.memory_space<vmem>>
      %dma_start3A_344 = tpu.memref_squeeze %dma_start3A_343 : memref<1x1280x32xf32, #tpu.memory_space<vmem>> -> memref<1280x32xf32, #tpu.memory_space<vmem>>
      %dma_start3A_345 = arith.constant 0 : i32
      %dma_start3A_346 = tpu.memref_slice %arg4[%add3A_339, %dma_start3A_345] : memref<819200x32xf32, #tpu.memory_space<hbm>> -> memref<1280x32xf32, #tpu.memory_space<hbm>>
      %dma_start3A_347 = arith.constant 0 : i32
      %dma_start3A_348 = tpu.memref_slice %arg4[%add3A_339, %dma_start3A_347] : memref<819200x32xf32, #tpu.memory_space<hbm>> -> memref<1280x32xf32, #tpu.memory_space<hbm>>
      %dma_start3A_349 = arith.constant 0 : i32
      %dma_start3A_350 = arith.constant 0 : i32
      %dma_start3A_351 = tpu.memref_slice %arg6[%dma_start3A_340, %dma_start3A_349, %dma_start3A_350] : memref<2x1280x32xf32, #tpu.memory_space<vmem>> -> memref<1x1280x32xf32, #tpu.memory_space<vmem>>
      %dma_start3A_352 = tpu.memref_squeeze %dma_start3A_351 : memref<1x1280x32xf32, #tpu.memory_space<vmem>> -> memref<1280x32xf32, #tpu.memory_space<vmem>>
      tpu.enqueue_dma source(%dma_start3A_352 : memref<1280x32xf32, #tpu.memory_space<vmem>>) target(%dma_start3A_348 : memref<1280x32xf32, #tpu.memory_space<hbm>>) target_semaphore(%arg9 : memref<!tpu.dma_semaphore, #tpu.memory_space<semaphore_mem>>)
    }
    %scan3A_150 = arith.constant 8 : i32
    %dma_wait3A_151 = arith.constant 1 : i32
    %dma_wait3A_152 = arith.constant 0 : i32
    %dma_wait3A_153 = arith.constant 0 : i32
    %dma_wait3A_154 = tpu.memref_slice %arg6[%dma_wait3A_151, %dma_wait3A_152, %dma_wait3A_153] : memref<2x1280x32xf32, #tpu.memory_space<vmem>> -> memref<1x1280x32xf32, #tpu.memory_space<vmem>>
    %dma_wait3A_155 = tpu.memref_squeeze %dma_wait3A_154 : memref<1x1280x32xf32, #tpu.memory_space<vmem>> -> memref<1280x32xf32, #tpu.memory_space<vmem>>
    %dma_wait3A_156 = arith.constant 0 : i32
    %dma_wait3A_157 = arith.constant 0 : i32
    %dma_wait3A_158 = tpu.memref_slice %arg3[%dma_wait3A_156, %dma_wait3A_157] : memref<1000002x32xf32, #tpu.memory_space<hbm>> -> memref<1280x32xf32, #tpu.memory_space<hbm>>
    %dma_wait3A_159 = arith.constant 0 : i32
    %dma_wait3A_160 = arith.constant 0 : i32
    %dma_wait3A_161 = tpu.memref_slice %arg6[%dma_wait3A_151, %dma_wait3A_159, %dma_wait3A_160] : memref<2x1280x32xf32, #tpu.memory_space<vmem>> -> memref<1x1280x32xf32, #tpu.memory_space<vmem>>
    %dma_wait3A_162 = tpu.memref_squeeze %dma_wait3A_161 : memref<1x1280x32xf32, #tpu.memory_space<vmem>> -> memref<1280x32xf32, #tpu.memory_space<vmem>>
    %dma_wait3A_163 = arith.constant 0 : i32
    %dma_wait3A_164 = arith.constant 0 : i32
    %dma_wait3A_165 = tpu.memref_slice %arg3[%dma_wait3A_163, %dma_wait3A_164] : memref<1000002x32xf32, #tpu.memory_space<hbm>> -> memref<1280x32xf32, #tpu.memory_space<hbm>>
    tpu.wait_dma2 semaphore(%arg8 : memref<!tpu.dma_semaphore, #tpu.memory_space<semaphore_mem>>) src(%dma_wait3A_165 : memref<1280x32xf32, #tpu.memory_space<hbm>>) dst(%dma_wait3A_162 : memref<1280x32xf32, #tpu.memory_space<vmem>>)
    %dma_wait3A_166 = arith.constant 1 : i32
    %dma_wait3A_167 = arith.constant 0 : i32
    %dma_wait3A_168 = arith.constant 0 : i32
    %dma_wait3A_169 = tpu.memref_slice %arg6[%dma_wait3A_166, %dma_wait3A_167, %dma_wait3A_168] : memref<2x1280x32xf32, #tpu.memory_space<vmem>> -> memref<1x1280x32xf32, #tpu.memory_space<vmem>>
    %dma_wait3A_170 = tpu.memref_squeeze %dma_wait3A_169 : memref<1x1280x32xf32, #tpu.memory_space<vmem>> -> memref<1280x32xf32, #tpu.memory_space<vmem>>
    %dma_wait3A_171 = arith.constant 0 : i32
    %dma_wait3A_172 = arith.constant 0 : i32
    %dma_wait3A_173 = tpu.memref_slice %arg4[%dma_wait3A_171, %dma_wait3A_172] : memref<819200x32xf32, #tpu.memory_space<hbm>> -> memref<1280x32xf32, #tpu.memory_space<hbm>>
    %dma_wait3A_174 = arith.constant 0 : i32
    %dma_wait3A_175 = arith.constant 0 : i32
    %dma_wait3A_176 = tpu.memref_slice %arg6[%dma_wait3A_166, %dma_wait3A_174, %dma_wait3A_175] : memref<2x1280x32xf32, #tpu.memory_space<vmem>> -> memref<1x1280x32xf32, #tpu.memory_space<vmem>>
    %dma_wait3A_177 = tpu.memref_squeeze %dma_wait3A_176 : memref<1x1280x32xf32, #tpu.memory_space<vmem>> -> memref<1280x32xf32, #tpu.memory_space<vmem>>
    %dma_wait3A_178 = arith.constant 0 : i32
    %dma_wait3A_179 = arith.constant 0 : i32
    %dma_wait3A_180 = tpu.memref_slice %arg4[%dma_wait3A_178, %dma_wait3A_179] : memref<819200x32xf32, #tpu.memory_space<hbm>> -> memref<1280x32xf32, #tpu.memory_space<hbm>>
    tpu.wait_dma2 semaphore(%arg10 : memref<!tpu.dma_semaphore, #tpu.memory_space<semaphore_mem>>) src(%dma_wait3A_180 : memref<1280x32xf32, #tpu.memory_space<hbm>>) dst(%dma_wait3A_177 : memref<1280x32xf32, #tpu.memory_space<vmem>>)
    %add3A_181 = arith.constant 24320 : i32
    %add3A_182 = arith.addi %mul3A_2, %add3A_181 : i32
    %dma_start3A_183 = arith.constant 1 : i32
    %dma_start3A_184 = arith.constant 0 : i32
    %dma_start3A_185 = arith.constant 0 : i32
    %dma_start3A_186 = tpu.memref_slice %arg6[%dma_start3A_183, %dma_start3A_184, %dma_start3A_185] : memref<2x1280x32xf32, #tpu.memory_space<vmem>> -> memref<1x1280x32xf32, #tpu.memory_space<vmem>>
    %dma_start3A_187 = tpu.memref_squeeze %dma_start3A_186 : memref<1x1280x32xf32, #tpu.memory_space<vmem>> -> memref<1280x32xf32, #tpu.memory_space<vmem>>
    %dma_start3A_188 = arith.constant 0 : i32
    %dma_start3A_189 = tpu.memref_slice %arg4[%add3A_182, %dma_start3A_188] : memref<819200x32xf32, #tpu.memory_space<hbm>> -> memref<1280x32xf32, #tpu.memory_space<hbm>>
    %dma_start3A_190 = arith.constant 0 : i32
    %dma_start3A_191 = tpu.memref_slice %arg4[%add3A_182, %dma_start3A_190] : memref<819200x32xf32, #tpu.memory_space<hbm>> -> memref<1280x32xf32, #tpu.memory_space<hbm>>
    %dma_start3A_192 = arith.constant 0 : i32
    %dma_start3A_193 = arith.constant 0 : i32
    %dma_start3A_194 = tpu.memref_slice %arg6[%dma_start3A_183, %dma_start3A_192, %dma_start3A_193] : memref<2x1280x32xf32, #tpu.memory_space<vmem>> -> memref<1x1280x32xf32, #tpu.memory_space<vmem>>
    %dma_start3A_195 = tpu.memref_squeeze %dma_start3A_194 : memref<1x1280x32xf32, #tpu.memory_space<vmem>> -> memref<1280x32xf32, #tpu.memory_space<vmem>>
    tpu.enqueue_dma source(%dma_start3A_195 : memref<1280x32xf32, #tpu.memory_space<vmem>>) target(%dma_start3A_191 : memref<1280x32xf32, #tpu.memory_space<hbm>>) target_semaphore(%arg10 : memref<!tpu.dma_semaphore, #tpu.memory_space<semaphore_mem>>)
    %dma_wait3A_196 = arith.constant 0 : i32
    %dma_wait3A_197 = arith.constant 0 : i32
    %dma_wait3A_198 = arith.constant 0 : i32
    %dma_wait3A_199 = tpu.memref_slice %arg6[%dma_wait3A_196, %dma_wait3A_197, %dma_wait3A_198] : memref<2x1280x32xf32, #tpu.memory_space<vmem>> -> memref<1x1280x32xf32, #tpu.memory_space<vmem>>
    %dma_wait3A_200 = tpu.memref_squeeze %dma_wait3A_199 : memref<1x1280x32xf32, #tpu.memory_space<vmem>> -> memref<1280x32xf32, #tpu.memory_space<vmem>>
    %dma_wait3A_201 = arith.constant 0 : i32
    %dma_wait3A_202 = arith.constant 0 : i32
    %dma_wait3A_203 = tpu.memref_slice %arg4[%dma_wait3A_201, %dma_wait3A_202] : memref<819200x32xf32, #tpu.memory_space<hbm>> -> memref<1280x32xf32, #tpu.memory_space<hbm>>
    %dma_wait3A_204 = arith.constant 0 : i32
    %dma_wait3A_205 = arith.constant 0 : i32
    %dma_wait3A_206 = tpu.memref_slice %arg6[%dma_wait3A_196, %dma_wait3A_204, %dma_wait3A_205] : memref<2x1280x32xf32, #tpu.memory_space<vmem>> -> memref<1x1280x32xf32, #tpu.memory_space<vmem>>
    %dma_wait3A_207 = tpu.memref_squeeze %dma_wait3A_206 : memref<1x1280x32xf32, #tpu.memory_space<vmem>> -> memref<1280x32xf32, #tpu.memory_space<vmem>>
    %dma_wait3A_208 = arith.constant 0 : i32
    %dma_wait3A_209 = arith.constant 0 : i32
    %dma_wait3A_210 = tpu.memref_slice %arg4[%dma_wait3A_208, %dma_wait3A_209] : memref<819200x32xf32, #tpu.memory_space<hbm>> -> memref<1280x32xf32, #tpu.memory_space<hbm>>
    tpu.wait_dma2 semaphore(%arg9 : memref<!tpu.dma_semaphore, #tpu.memory_space<semaphore_mem>>) src(%dma_wait3A_210 : memref<1280x32xf32, #tpu.memory_space<hbm>>) dst(%dma_wait3A_207 : memref<1280x32xf32, #tpu.memory_space<vmem>>)
    %dma_wait3A_211 = arith.constant 1 : i32
    %dma_wait3A_212 = arith.constant 0 : i32
    %dma_wait3A_213 = arith.constant 0 : i32
    %dma_wait3A_214 = tpu.memref_slice %arg6[%dma_wait3A_211, %dma_wait3A_212, %dma_wait3A_213] : memref<2x1280x32xf32, #tpu.memory_space<vmem>> -> memref<1x1280x32xf32, #tpu.memory_space<vmem>>
    %dma_wait3A_215 = tpu.memref_squeeze %dma_wait3A_214 : memref<1x1280x32xf32, #tpu.memory_space<vmem>> -> memref<1280x32xf32, #tpu.memory_space<vmem>>
    %dma_wait3A_216 = arith.constant 0 : i32
    %dma_wait3A_217 = arith.constant 0 : i32
    %dma_wait3A_218 = tpu.memref_slice %arg4[%dma_wait3A_216, %dma_wait3A_217] : memref<819200x32xf32, #tpu.memory_space<hbm>> -> memref<1280x32xf32, #tpu.memory_space<hbm>>
    %dma_wait3A_219 = arith.constant 0 : i32
    %dma_wait3A_220 = arith.constant 0 : i32
    %dma_wait3A_221 = tpu.memref_slice %arg6[%dma_wait3A_211, %dma_wait3A_219, %dma_wait3A_220] : memref<2x1280x32xf32, #tpu.memory_space<vmem>> -> memref<1x1280x32xf32, #tpu.memory_space<vmem>>
    %dma_wait3A_222 = tpu.memref_squeeze %dma_wait3A_221 : memref<1x1280x32xf32, #tpu.memory_space<vmem>> -> memref<1280x32xf32, #tpu.memory_space<vmem>>
    %dma_wait3A_223 = arith.constant 0 : i32
    %dma_wait3A_224 = arith.constant 0 : i32
    %dma_wait3A_225 = tpu.memref_slice %arg4[%dma_wait3A_223, %dma_wait3A_224] : memref<819200x32xf32, #tpu.memory_space<hbm>> -> memref<1280x32xf32, #tpu.memory_space<hbm>>
    tpu.wait_dma2 semaphore(%arg10 : memref<!tpu.dma_semaphore, #tpu.memory_space<semaphore_mem>>) src(%dma_wait3A_225 : memref<1280x32xf32, #tpu.memory_space<hbm>>) dst(%dma_wait3A_222 : memref<1280x32xf32, #tpu.memory_space<vmem>>)
    return
  }
}

</mosaic_0001>

<sc_bundles>
// kernel: _embed.3.cloned.1.call-start
scs
__scs_entry_jumppad:
0x0: {  	(pc) =	sbr.rel $0x88, $3  }
0x1: {  	(tag) =	ssettag $0x0;
	lr =	simm.s32 $0x1  }
0x2: {  	[smem:$0x3F9F] =	sst lr;
	_ =	strace $0xD0000000  }
0x3: {  	_ = 	snop  }
0x4: {  	_ = 	snop  }
0x5: {  	_ = 	snop  }
0x6: {  	_ = 	snop  }
0x7: {  	_ = 	snop  }
__scs_overlays_trampoline_lowered:
0x8: {  	[smem:$0x3FAE] =	sst s0  }
0x9: {  	[smem:$0x3FAF] =	sst s1  }
0xa: {  	[smem:$0x3FB0] =	sst s2  }
0xb: {  	[smem:$0x3FB1] =	sst s3  }
0xc: {  	[smem:$0x3FB2] =	sst s4  }
0xd: {  	[smem:$0x3FB3] =	sst s5  }
0xe: {  	[smem:$0x3FB4] =	sst s6  }
0xf: {  	[smem:$0x3FB5] =	sst s7  }
0x10: {  	[smem:$0x3FB6] =	sst s8  }
0x11: {  	[smem:$0x3FB7] =	sst s9;
	s0 =	simm.s32 @!p0 $0x0  }
0x12: {  	s1 =	sld [smem:$0x3F9D];
	s0 =	simm.s32 @p0 $0x1  }
0x13: {  	[smem:$0x3FB8] =	sst s0;
	s0 =	simm.s32 @!p1 $0x0  }
0x14: {  	s2 =	sld [smem:$0x3F9C];
	s0 =	simm.s32 @p1 $0x1  }
0x15: {  	[smem:$0x3FB9] =	sst s0;
	s0 =	simm.s32 @!p2 $0x0  }
0x16: {  	s3 =	sld [smem:$0x3FDB];
	s0 =	simm.s32 @p2 $0x1  }
0x17: {  	s4 =	simm.s32 $0x1BF5;
	[smem:$0x3FBB] =	sst s0  }
0x18: {  	s0 =	sld [smem:$0x3F9E];
	_ =	swait.ge [sflag:s4], $0x0  }
0x19: {  	s7 =	sld [smem:$0x3F9F]  }
0x1a: {  	s8 =	sadd.s32 $0xFFFFE003, lr  }
0x1b: {  	s9 =	sadd.s32 $0xFFFFFEF7, lr;
	s5 =	simm.s32 $0xFFFFFFFF;
	p2 =	slt.u32 s8, $0xFFFFF086  }
0x1c: {  	p1 =	slt.u32 s9, $0xF7A;
	s5 =	simm.s32 @!p2 $0x0  }
0x1d: {  	s5 =	simm.s32 @p1 $0x1;
	p0 =	seq.s32 s7, s2  }
0x1e: {  	s7 =	smul.u32 @!p0 $0xF7A, s2;
	p2 =	seq.s32 @!p0 s5, $0x0  }
0x1f: {  	s9 =	smul.u32 $0xF7A, s1;
	s8 =	simm.s32 @!p0 $0x1BF5;
	p2 =	por !p2, p0  }
0x20: {  	[sflag:s8] =	ssyncset.s32 @!p0 $0xFFFFF086;
	s6 =	sadd.s32 @!p0 s3, s7;
	s7 =	simm.s32 @!p0 $0x108  }
0x21: {  	s3 =	sadd.s32 s3, s9;
	s6 =	sadd.s32 @!p0 $0x88, s6;
	s7 =	simm.s32 @p2 $0x1082  }
0x22: {  	[simem:s7], [sflag:s8] =	dma.local @!p0 [hbm:s6], $0xF7A  }
0x23: {  	s9 =	sor.u32 $0xD0000000, s2;
	s6 =	simm.s32 $0x108;
	_ =	swait.ge @!p0 [sflag:s8], $0x0  }
0x24: {  	s3 =	sadd.s32 $0x88, s3;
	s6 =	simm.s32 @!p1 $0x1082;
	[sflag:s4] =	ssyncset.s32 $0xFFFFF086  }
0x25: {  	[simem:s6], [sflag:s4] =	dma.local [hbm:s3], $0xF7A  }
0x26: {  	[smem:$0x3F9F] =	sst s1;
	(tag) =	ssettag s2;
	_ =	strace s9  }
0x27: {  	s1 =	sld [smem:$0x3FAF]  }
0x28: {  	s2 =	sld [smem:$0x3FB0]  }
0x29: {  	s4 =	sld [smem:$0x3FB2]  }
0x2a: {  	p0 =	seq.s32 s5, $0x0;
	s5 =	sld [smem:$0x3FB3]  }
0x2b: {  	s6 =	sld [smem:$0x3FB4]  }
0x2c: {  	s7 =	sld [smem:$0x3FB5]  }
0x2d: {  	s3 =	simm.s32 $0x108;
	s8 =	sld [smem:$0x3FB6]  }
0x2e: {  	s3 =	simm.s32 @!p0 $0x1082;
	s9 =	sld [smem:$0x3FB7]  }
0x2f: {  	lr =	sadd.s32 s0, s3;
	s0 =	sld [smem:$0x3FAE]  }
0x30: {  	s3 =	sld [smem:$0x3FB1]  }
0x31: {  	[smem:$0x3FBA] =	sst s10  }
0x32: {  	s10 =	sld [smem:$0x3FB8];
	_ =	sdelay $0x3  }
0x33: {  	p0 =	seq.s32 s10, $0x1;
	s10 =	sld [smem:$0x3FBA];
	_ =	sdelay $0x3  }
0x34: {  	[smem:$0x3FBA] =	sst s10  }
0x35: {  	s10 =	sld [smem:$0x3FB9];
	_ =	sdelay $0x3  }
0x36: {  	p1 =	seq.s32 s10, $0x1;
	s10 =	sld [smem:$0x3FBA];
	_ =	sdelay $0x3  }
0x37: {  	[smem:$0x3FBA] =	sst s10  }
0x38: {  	s10 =	sld [smem:$0x3FBB]  }
0x39: {  	_ = 	snop;
	(pc) =	sbr.ind lr, $3  }
0x3a: {  	_ = 	snop  }
0x3b: {  	_ = 	snop  }
0x3c: {  	p2 =	seq.s32 s10, $0x1;
	s10 =	sld [smem:$0x3FBA]  }
0x3d: {  	_ =	shalt  }
0x3e: {  	_ =	shalt  }
0x3f: {  	_ =	shalt  }
0x40: {  	_ =	shalt  }
0x41: {  	_ =	shalt  }
0x42: {  	_ =	shalt  }
0x43: {  	_ =	shalt  }
0x44: {  	_ =	shalt  }
0x45: {  	_ =	shalt  }
0x46: {  	_ =	shalt  }
0x47: {  	_ =	shalt  }
0x48: {  	_ =	shalt  }
0x49: {  	_ =	shalt  }
0x4a: {  	_ =	shalt  }
0x4b: {  	_ =	shalt  }
0x4c: {  	_ =	shalt  }
0x4d: {  	_ =	shalt  }
0x4e: {  	_ =	shalt  }
0x4f: {  	_ =	shalt  }
0x50: {  	_ =	shalt  }
0x51: {  	_ =	shalt  }
0x52: {  	_ =	shalt  }
0x53: {  	_ =	shalt  }
0x54: {  	_ =	shalt  }
0x55: {  	_ =	shalt  }
0x56: {  	_ =	shalt  }
0x57: {  	_ =	shalt  }
0x58: {  	_ =	shalt  }
0x59: {  	_ =	shalt  }
0x5a: {  	_ =	shalt  }
0x5b: {  	_ =	shalt  }
0x5c: {  	_ =	shalt  }
0x5d: {  	_ =	shalt  }
0x5e: {  	_ =	shalt  }
0x5f: {  	_ =	shalt  }
0x60: {  	_ =	shalt  }
0x61: {  	_ =	shalt  }
0x62: {  	_ =	shalt  }
0x63: {  	_ =	shalt  }
0x64: {  	_ =	shalt  }
0x65: {  	_ =	shalt  }
0x66: {  	_ =	shalt  }
0x67: {  	_ =	shalt  }
0x68: {  	_ =	shalt  }
0x69: {  	_ =	shalt  }
0x6a: {  	_ =	shalt  }
0x6b: {  	_ =	shalt  }
0x6c: {  	_ =	shalt  }
0x6d: {  	_ =	shalt  }
0x6e: {  	_ =	shalt  }
0x6f: {  	_ =	shalt  }
0x70: {  	_ =	shalt  }
0x71: {  	_ =	shalt  }
0x72: {  	_ =	shalt  }
0x73: {  	_ =	shalt  }
0x74: {  	_ =	shalt  }
0x75: {  	_ =	shalt  }
0x76: {  	_ =	shalt  }
0x77: {  	_ =	shalt  }
0x78: {  	_ =	shalt  }
0x79: {  	_ =	shalt  }
0x7a: {  	_ =	shalt  }
0x7b: {  	_ =	shalt  }
0x7c: {  	_ =	shalt  }
0x7d: {  	_ =	shalt  }
0x7e: {  	_ =	shalt  }
0x7f: {  	_ =	shalt  }
0x80: {  	_ =	shalt  }
0x81: {  	_ =	shalt  }
0x82: {  	_ =	shalt  }
0x83: {  	_ =	shalt  }
0x84: {  	_ =	shalt  }
0x85: {  	_ =	shalt  }
0x86: {  	_ =	shalt  }
0x87: {  	_ =	shalt  }
.Lfunc_end0:
.L_simem_size_0:
called_computation.1_lowered:
.L_overlay_start_0:
0x88: {  	s2 =	sld [smem:$0x3FD9]  }
0x89: {  	s3 =	sld [smem:$0x3FFE];
	_ =	sdelay $0x1  }
0x8a: {  	s1 =	srdreg.scid  }
0x8b: {  	s0 =	sand.u32 $0x1, s1  }
0x8c: {  	s17 =	sshll.u32 s0, $0xA;
	s2 =	sadd.s32 s3, s2  }
0x8d: {  	s2 =	sadd.s32 s2, s17  }
0x8e: {  	[smem:$0x3FC6] =	sst s2  }
0x8f: {  	_ = 	snop  }
0x90: {  	s2 =	sld [smem:$0x3FC9]  }
0x91: {  	s18 =	sld [smem:$0x3FD0];
	(tm) =	ssettm $0x1  }
0x92: {  	s4 =	sld [smem:$0x3FFB];
	_ =	sdelay $0x3  }
0x93: {  	_ =	strace s4  }
0x94: {  	s4 =	sld [smem:$0x3FFC];
	_ =	sdelay $0x3  }
0x95: {  	_ =	strace s4  }
0x96: {  	s4 =	sld [smem:$0x3FFD];
	_ =	sdelay $0x3  }
0x97: {  	_ =	strace s4  }
0x98: {  	_ =	strace $0x8FFFFFFF  }
0x99: {  	s19 =	sld [smem:$0x3FDB];
	_ =	sdelay $0x1  }
0x9a: {  	s5 =	simm.s32 $_scs_section_size  }
0x9b: {  	s6 =	simm.s32 $_size__tile_overlayer_lowered;
	s7 =	simm.s32 $_tile_overlayer_lowered  }
0x9c: {  	s22 =	simm.s32 $0x1BFF;
	s21 =	sshll.u32 s7, $0x1;
	s4 =	sadd.s32 s5, s19  }
0x9d: {  	s8 =	simm.s32 $0x0;
	s20 =	sshll.u32 s6, $0x1;
	s6 =	sadd.s32 s21, s4  }
0x9e: {  	[timem:s8], [sflag:s22] =	dma.local [hbm:s6], s20  }
0x9f: {  	_ =	swait.ge [sflag:s22], s20  }
0xa0: {  	s5 =	ssub.s32 $0x0, s20;
	[sflag:s22] =	ssyncset.done $0x0  }
0xa1: {  	[sflag:s22] =	ssyncadd.s32 s5;
	_ =	sdelay $0x1  }
0xa2: {  	s23 =	simm.s32 $0x1B8B  }
0xa3: {  	_ =	swait.ge [sflag:s23], $0x1  }
0xa4: {  	[sflag:s23] =	ssyncset.done $0x0  }
0xa5: {  	s25 =	simm.s32 $0x1B8E;
	s24 =	sld [smem:$0x3FFE];
	[sflag:s23] =	ssyncadd.s32 $0xFFFFFFFF  }
0xa6: {  	s26 =	simm.s32 $execute0_lowered;
	[smem:$0x3FD2] =	sst s25  }
0xa7: {  	s6 =	sshll.u32 s26, $0x1;
	_ =	strace $0x80000046;
	[dreg:$0x1] =	wrdreg $0xFFFFFFFF  }
0xa8: {  	s28 =	simm.s32 $_size_execute0_lowered;
	s4 =	sadd.s32 s4, s6;
	[dreg:$0x0] =	wrdreg $0x0  }
0xa9: {  	s6 =	sshll.u32 s28, $0x1;
	[dreg:$0x2] =	wrdreg s4  }
0xaa: {  	[dreg:$0x3] =	wrdreg s6  }
0xab: {  	[dreg:$0x4] =	wrdreg $0xC0  }
0xac: {  	_ =	task [dreg:s8], $0x5FFFF  }
0xad: {  	[dreg:$0x1] =	wrdreg $0xFFFFFFFF  }
0xae: {  	[dreg:$0x0] =	wrdreg $0x60  }
0xaf: {  	[dreg:$0x2] =	wrdreg s2  }
0xb0: {  	[dreg:$0x3] =	wrdreg s24  }
0xb1: {  	[dreg:$0x4] =	wrdreg s18  }
0xb2: {  	[dreg:$0x5] =	wrdreg $0x9  }
0xb3: {  	_ =	task.clear_ibuf [dreg:s8], $0x6FFFF;
	_ =	strace $0x90000046  }
0xb4: {  	s29 =	simm.s32 $0x9;
	_ =	strace $0x80000048  }
0xb5: {  	_ =	swait.ge [sflag:s29], $0x1  }
0xb6: {  	[sflag:s29] =	ssyncadd.s32 $0xFFFFFFFF  }
0xb7: {  	_ =	strace $0x90000048  }
0xb8: {  	_ =	sfence  }
0xb9: {  	s30 =	sld [smem:$0x0];
	_ =	sdelay $0x2  }
0xba: {  	s31 =	sshll.u32 s1, $0xD;
	s1 =	sshrl.u32 s1, $0x2  }
0xbb: {  	s3 =	sand.u32 $0x4000, s31;
	s1 =	sadd.s32 s1, s30  }
0xbc: {  	s0 =	sor.u32 s3, s0;
	s1 =	sshll.u32 s1, $0x11  }
0xbd: {  	s0 =	sor.u32 s1, s0  }
0xbe: {  	s0 =	sadd.s32 $0x8F2B, s0  }
0xbf: {  	[sflag:s0] =	ssyncadd.remote.s32 $0x1  }
0xc0: {  	_ =	sfence.sel $0xFFFF  }
0xc1: {  	[dreg:$0x0] =	wrdreg $0xFFFFFFFF;
	(pc) =	sbr.abs _section_cstart, $3  }
0xc2: {  	[dreg:$0x1] =	wrdreg $0xFFFFFFFF  }
0xc3: {  	_ =	task.clear_ibuf [dreg:s8], $0x2FFFF;
	_ =	strace $0x9FFFFFFF  }
0xc4: {  	(tm) =	ssettm $0x7FFFFFFF  }
0xc5: {  	_ =	shalt  }
tec
execute0_lowered:
.L_overlay_start_1:
0x0: {  	(tag) =	ssettag $0x1  }
0x1: {  	s4 =	rddreg [dreg:$0x0];
	s1 =	srdreg.scid  }
0x2: {  	s0 =	stileid.u32;
	s3 =	rddreg [dreg:$0x1]  }
0x3: {  	s8 =	rddreg [dreg:$0x2];
	s2 =	simm.s32 $0x0;
	s13 =	simm.s32 $0x500  }
0x4: {  	s14 =	simm.s32 $0x6400;
	s15 =	simm.s32 $0x1;
	s16 =	simm.s32 $0x10400  }
0x5: {  	s17 =	simm.s32 $0x2;
	s18 =	simm.s32 $0xA00;
	s19 =	simm.s32 $0xF00  }
0x6: {  	s20 =	simm.s32 $0x3;
	s21 =	simm.s32 $0x4;
	s5 =	sand.u32 $0x1, s1  }
0x7: {  	s26 =	sshll.u32 s0, $0x1;
	s1 =	rddreg [dreg:$0x3];
	s11 =	smul.u32 $0xC800, s0  }
0x8: {  	s6 =	sor.u32 s5, s26;
	s10 =	ssub.s32 $0x2, s5;
	s5 =	smul.u32 $0x6400, s5  }
0x9: {  	s22 =	simm.s32 $0x0;
	[smem:$0x7FF] =	sst s2;
	s7 =	smul.u32 $0x6400, s6  }
0xa: {  	s3 =	sadd.s32 $0xF42E00, s3;
	s9 =	smul.u32 $0xC8000, s6;
	s12 =	sshrl.u32 s10, $0x1  }
0xb: {  	_ =	strace $0x80000047;
	s6 =	smul.u32 $0x19000, s6;
	s10 =	ssub.s32 s10, s12  }
0xc: {  	s29 =	sadd.s32 s5, s11;
	s12 =	simm.s32 $0x5;
	s7 =	sshrl.u32 s7, $0x3  }
0xd: {  	s28 =	sshrl.u32 s9, $0x3;
	s5 =	sadd.s32 s8, s6;
	s9 =	sshll.u32 s29, $0x2  }
0xe: {  	s4 =	sadd.s32 s4, s7;
	s30 =	sadd.s32 s8, s28;
	s31 =	sadd.s32 s8, s9  }
0xf: {  	s9 =	smax.u32 s10, $0x1;
	s6 =	sadd.s32 $0x1400, s30;
	s7 =	sadd.s32 $0x2800, s30  }
0x10: {  	s8 =	sadd.s32 $0x17C00, s30;
	s10 =	sadd.s32 $0x3C00, s31;
	s11 =	sadd.s32 $0x5000, s31  }
.LBB2_1:
0x11: {  	[tilespmem:s2], [sflag:$0x5] =	stream.linear.gather [hbm4b:s4+s2], $0x6400, $0x38;
	[tilespmem:$0x1A400] =	vst v63  }
0x12: {  	_ =	swait.ge [sflag:s12], $0x6400  }
0x13: {  	[sflag:s12] =	ssyncset.done $0x0  }
0x14: {  	[sflag:s12] =	ssyncadd.s32 $0xFFFF9C00  }
0x15: {  	[tilespmem:s14], [sflag:$0x1] =	stream.indirect.gather [hbm4b:s3+s13], $0x20, s2, s13, $0xb8;
	[tilespmem:$0x1A400] =	vst v63  }
0x16: {  	_ =	swait.ge [sflag:s15], $0xA000  }
0x17: {  	[sflag:s15] =	ssyncset.done $0x0  }
0x18: {  	[sflag:s15] =	ssyncadd.s32 $0xFFFF6000  }
0x19: {  	[tilespmem:s16], [sflag:$0x2] =	stream.indirect.gather [hbm4b:s3+s13], $0x20, s13, s13, $0xb8;
	[tilespmem:$0x1A400] =	vst v63  }
0x1a: {  	_ = 	snop  }
0x1b: {  	[hbm4b:s5+s2] =	stream.linear.scatter [tilespmem:s14], [sflag:$0x3], $0xA000, $0x38;
	[tilespmem:$0x1A400] =	vst v63  }
0x1c: {  	_ =	swait.ge [sflag:s17], $0xA000  }
0x1d: {  	[sflag:s17] =	ssyncset.done $0x0  }
0x1e: {  	[sflag:s17] =	ssyncadd.s32 $0xFFFF6000  }
0x1f: {  	[tilespmem:s14], [sflag:$0x1] =	stream.indirect.gather [hbm4b:s3+s13], $0x20, s18, s13, $0xb8;
	[tilespmem:$0x1A400] =	vst v63  }
0x20: {  	_ = 	snop  }
0x21: {  	[hbm4b:s6+s2] =	stream.linear.scatter [tilespmem:s16], [sflag:$0x4], $0xA000, $0x38;
	[tilespmem:$0x1A400] =	vst v63  }
0x22: {  	_ =	swait.ge [sflag:s15], $0xA000  }
0x23: {  	[sflag:s15] =	ssyncset.done $0x0  }
0x24: {  	[sflag:s15] =	ssyncadd.s32 $0xFFFF6000  }
0x25: {  	[tilespmem:s16], [sflag:$0x2] =	stream.indirect.gather [hbm4b:s3+s13], $0x20, s19, s13, $0xb8;
	[tilespmem:$0x1A400] =	vst v63  }
0x26: {  	_ =	swait.ge [sflag:s20], $0xA000  }
0x27: {  	[sflag:s20] =	ssyncset.done $0x0  }
0x28: {  	[sflag:s20] =	ssyncadd.s32 $0xFFFF6000  }
0x29: {  	[hbm4b:s7+s2] =	stream.linear.scatter [tilespmem:s14], [sflag:$0x3], $0xA000, $0x38;
	[tilespmem:$0x1A400] =	vst v63  }
0x2a: {  	_ =	swait.ge [sflag:s17], $0xA000  }
0x2b: {  	[sflag:s17] =	ssyncset.done $0x0  }
0x2c: {  	s23 =	simm.s32 $0x1400;
	[sflag:s17] =	ssyncadd.s32 $0xFFFF6000  }
0x2d: {  	[tilespmem:s14], [sflag:$0x1] =	stream.indirect.gather [hbm4b:s3+s13], $0x20, s23, s13, $0xb8;
	[tilespmem:$0x1A400] =	vst v63  }
0x2e: {  	_ =	swait.ge [sflag:s21], $0xA000  }
0x2f: {  	[sflag:s21] =	ssyncset.done $0x0  }
0x30: {  	s30 =	sadd.s32 $0x0, s10;
	[sflag:s21] =	ssyncadd.s32 $0xFFFF6000  }
0x31: {  	[hbm4b:s30+s2] =	stream.linear.scatter [tilespmem:s16], [sflag:$0x4], $0xA000, $0x38;
	[tilespmem:$0x1A400] =	vst v63  }
0x32: {  	_ =	swait.ge [sflag:s15], $0xA000  }
0x33: {  	[sflag:s15] =	ssyncset.done $0x0  }
0x34: {  	s31 =	simm.s32 $0x1900;
	[sflag:s15] =	ssyncadd.s32 $0xFFFF6000  }
0x35: {  	[tilespmem:s16], [sflag:$0x2] =	stream.indirect.gather [hbm4b:s3+s13], $0x20, s31, s13, $0xb8;
	[tilespmem:$0x1A400] =	vst v63  }
0x36: {  	_ =	swait.ge [sflag:s20], $0xA000  }
0x37: {  	[sflag:s20] =	ssyncset.done $0x0  }
0x38: {  	s24 =	sadd.s32 $0x0, s11;
	s23 =	simm.s32 $0x2800;
	[sflag:s20] =	ssyncadd.s32 $0xFFFF6000  }
.LBB2_2:
0x39: {  	[hbm4b:s24+s2] =	stream.linear.scatter [tilespmem:s14], [sflag:$0x3], $0xA000, $0x38;
	[tilespmem:$0x1A400] =	vst v63  }
0x3a: {  	s24 =	smov.u32 s23  }
0x3b: {  	p0 =	sne.s32 s23, $0x11800;
	s23 =	sadd.s32 $0x2800, s23;
	_ =	swait.ge [sflag:s17], $0xA000  }
0x3c: {  	s25 =	sshra.s32 s24, $0x2;
	[sflag:s17] =	ssyncset.done $0x0  }
0x3d: {  	s26 =	sadd.s32 $0x1400, s25;
	[sflag:s17] =	ssyncadd.s32 $0xFFFF6000  }
0x3e: {  	[tilespmem:s14], [sflag:$0x1] =	stream.indirect.gather [hbm4b:s3+s13], $0x20, s26, s13, $0xb8;
	[tilespmem:$0x1A400] =	vst v63  }
0x3f: {  	_ =	swait.ge [sflag:s21], $0xA000  }
0x40: {  	[sflag:s21] =	ssyncset.done $0x0  }
0x41: {  	s26 =	sadd.s32 s24, s10;
	[sflag:s21] =	ssyncadd.s32 $0xFFFF6000  }
0x42: {  	[hbm4b:s26+s2] =	stream.linear.scatter [tilespmem:s16], [sflag:$0x4], $0xA000, $0x38;
	[tilespmem:$0x1A400] =	vst v63  }
0x43: {  	_ =	swait.ge [sflag:s15], $0xA000  }
0x44: {  	[sflag:s15] =	ssyncset.done $0x0  }
.Ltmp0:
0x45: {  	s25 =	sadd.s32 $0x1900, s25;
	[sflag:s15] =	ssyncadd.s32 $0xFFFF6000;
	(pc) =	sbr.rel @p0 .LBB2_2-.Ltmp0, $4  }
0x46: {  	[tilespmem:s16], [sflag:$0x2] =	stream.indirect.gather [hbm4b:s3+s13], $0x20, s25, s13, $0xb8;
	[tilespmem:$0x1A400] =	vst v63  }
0x47: {  	_ =	swait.ge [sflag:s20], $0xA000  }
0x48: {  	[sflag:s20] =	ssyncset.done $0x0  }
0x49: {  	s24 =	sadd.s32 s24, s11;
	[sflag:s20] =	ssyncadd.s32 $0xFFFF6000  }
0x4a: {  	[hbm4b:s24+s2] =	stream.linear.scatter [tilespmem:s14], [sflag:$0x3], $0xA000, $0x38;
	[tilespmem:$0x1A400] =	vst v63  }
0x4b: {  	_ =	swait.ge [sflag:s17], $0xA000  }
0x4c: {  	[sflag:s17] =	ssyncset.done $0x0  }
0x4d: {  	[sflag:s17] =	ssyncadd.s32 $0xFFFF6000  }
0x4e: {  	_ =	swait.ge [sflag:s21], $0xA000  }
0x4f: {  	[sflag:s21] =	ssyncset.done $0x0  }
0x50: {  	s22 =	sadd.s32 $0x1, s22;
	[sflag:s21] =	ssyncadd.s32 $0xFFFF6000  }
0x51: {  	[hbm4b:s8+s2] =	stream.linear.scatter [tilespmem:s16], [sflag:$0x4], $0xA000, $0x38;
	[tilespmem:$0x1A400] =	vst v63  }
0x52: {  	p0 =	sne.s32 s22, s9;
	_ =	swait.ge [sflag:s20], $0xA000  }
.Ltmp1:
0x53: {  	[sflag:s20] =	ssyncset.done $0x0;
	(pc) =	sbr.rel @p0 .LBB2_1-.Ltmp1, $4  }
0x54: {  	[sflag:s20] =	ssyncadd.s32 $0xFFFF6000  }
0x55: {  	_ =	swait.ge [sflag:s21], $0xA000  }
0x56: {  	[sflag:s21] =	ssyncset.done $0x0  }
0x57: {  	[sflag:s21] =	ssyncadd.s32 $0xFFFF6000  }
0x58: {  	_ =	sfence.sel $0x180000  }
0x59: {  	[bflag:$0x0] =	sbarrier.arrive $0xFFFF  }
0x5a: {  	p0 =	sne.s32 s0, $0x0;
	_ =	strace $0x90000047  }
0x5b: {  	s0 =	sadd.s32 @!p0 $0x100000, s1;
	[bflag:$0x2] =	sbarrier.arrive $0xFFFF  }
0x5c: {  	[sflag:s0] =	ssyncadd.tile.s32 @!p0 $0x1;
	_ =	shalt  }
.Lfunc_end2:
_tile_overlayer_lowered:
.L_overlay_start_2:
0x5d: {  	(tag) =	ssettag $0x2  }
0x5e: {  	s0 =	rddreg [dreg:$0x0];
	s2 =	stileid.u32  }
0x5f: {  	s1 =	rddreg [dreg:$0x1];
	p0 =	sne.s32 s2, $0x0  }
0x60: {  	s3 =	rddreg [dreg:$0x2];
	[bflag:$0x3] =	sbarrier.arrive $0xFFFF;
	s2 =	simm.s32 @!p0 $0x1C05  }
0x61: {  	[timem:s3], [sflag:s2] =	dma.local @!p0 [hbm:s0], s1  }
0x62: {  	s0 =	simm.s32 @!p0 $0x5  }
0x63: {  	_ =	swait.ge @!p0 [sflag:s0], s1  }
0x64: {  	s1 =	ssub.s32 @!p0 $0x0, s1;
	[sflag:s0] =	ssyncset.done @!p0 $0x0  }
0x65: {  	[sflag:s0] =	ssyncadd.s32 @!p0 s1  }
0x66: {  	[bflag:$0x3] =	sbarrier.arrive $0xFFFF  }
0x67: {  	_ =	shalt  }

// kernel: sparse-core-data-format-call.cloned.1.call-start
scs
called_computation_lowered:
.L_overlay_start_0:
0x0: {  	s2 =	sld [smem:$0x3FD9]  }
0x1: {  	s3 =	sld [smem:$0x3FFE];
	_ =	sdelay $0x1  }
0x2: {  	s1 =	srdreg.scid  }
0x3: {  	s0 =	sand.u32 $0x1, s1  }
0x4: {  	s18 =	sshll.u32 s0, $0xA;
	s2 =	sadd.s32 s3, s2  }
0x5: {  	s2 =	sadd.s32 s2, s18  }
0x6: {  	[smem:$0x3FC6] =	sst s2  }
0x7: {  	_ = 	snop  }
0x8: {  	s2 =	sld [smem:$0x3FD0];
	(tm) =	ssettm $0x1  }
0x9: {  	s19 =	sld [smem:$0x3FFB];
	_ =	sdelay $0x3  }
0xa: {  	_ =	strace s19  }
0xb: {  	s3 =	sld [smem:$0x3FFC];
	_ =	sdelay $0x3  }
0xc: {  	_ =	strace s3  }
0xd: {  	s3 =	sld [smem:$0x3FFD];
	_ =	sdelay $0x3  }
0xe: {  	_ =	strace s3  }
0xf: {  	_ =	strace $0x8FFFFFFF  }
0x10: {  	s20 =	sld [smem:$0x3FDB];
	_ =	sdelay $0x1  }
0x11: {  	s4 =	simm.s32 $_scs_section_size  }
0x12: {  	s5 =	simm.s32 $_size__tile_overlayer_lowered;
	s6 =	simm.s32 $_tile_overlayer_lowered  }
0x13: {  	s23 =	simm.s32 $0x1BFF;
	s22 =	sshll.u32 s6, $0x1;
	s3 =	sadd.s32 s4, s20  }
0x14: {  	s7 =	simm.s32 $0x0;
	s21 =	sshll.u32 s5, $0x1;
	s5 =	sadd.s32 s22, s3  }
0x15: {  	[timem:s7], [sflag:s23] =	dma.local [hbm:s5], s21  }
0x16: {  	_ =	swait.ge [sflag:s23], s21  }
0x17: {  	s4 =	ssub.s32 $0x0, s21;
	[sflag:s23] =	ssyncset.done $0x0  }
0x18: {  	[sflag:s23] =	ssyncadd.s32 s4;
	_ =	sdelay $0x1  }
0x19: {  	s24 =	simm.s32 $0x1B8B  }
0x1a: {  	_ =	swait.ge [sflag:s24], $0x1  }
0x1b: {  	[sflag:s24] =	ssyncset.done $0x0  }
0x1c: {  	s26 =	simm.s32 $0x1B8E;
	s25 =	sld [smem:$0x3FFE];
	[sflag:s24] =	ssyncadd.s32 $0xFFFFFFFF  }
0x1d: {  	s27 =	simm.s32 $execute0_lowered;
	[smem:$0x3FD2] =	sst s26  }
0x1e: {  	s5 =	sshll.u32 s27, $0x1;
	_ =	strace $0x80000049;
	[dreg:$0x1] =	wrdreg $0xFFFFFFFF  }
0x1f: {  	s28 =	simm.s32 $_size_execute0_lowered;
	s3 =	sadd.s32 s3, s5;
	[dreg:$0x0] =	wrdreg $0x0  }
0x20: {  	s5 =	sshll.u32 s28, $0x1;
	[dreg:$0x2] =	wrdreg s3  }
0x21: {  	[dreg:$0x3] =	wrdreg s5  }
0x22: {  	[dreg:$0x4] =	wrdreg $0xC0  }
0x23: {  	_ =	task [dreg:s7], $0x5FFFF  }
0x24: {  	[dreg:$0x1] =	wrdreg $0xFFFFFFFF  }
0x25: {  	[dreg:$0x0] =	wrdreg $0x60  }
0x26: {  	[dreg:$0x2] =	wrdreg s25  }
0x27: {  	[dreg:$0x3] =	wrdreg s2  }
0x28: {  	[dreg:$0x4] =	wrdreg $0x9  }
0x29: {  	_ =	task.clear_ibuf [dreg:s7], $0x5FFFF;
	_ =	strace $0x90000049  }
0x2a: {  	s29 =	simm.s32 $0x9;
	_ =	strace $0x8000004B  }
0x2b: {  	_ =	swait.ge [sflag:s29], $0x1  }
0x2c: {  	[sflag:s29] =	ssyncadd.s32 $0xFFFFFFFF  }
0x2d: {  	_ =	strace $0x9000004B  }
0x2e: {  	_ =	sfence  }
0x2f: {  	s30 =	sld [smem:$0x0];
	_ =	sdelay $0x2  }
0x30: {  	s31 =	sshll.u32 s1, $0xD;
	s1 =	sshrl.u32 s1, $0x2  }
0x31: {  	s3 =	sand.u32 $0x4000, s31;
	s1 =	sadd.s32 s1, s30  }
0x32: {  	s0 =	sor.u32 s3, s0;
	s1 =	sshll.u32 s1, $0x11  }
0x33: {  	s0 =	sor.u32 s1, s0  }
0x34: {  	s0 =	sadd.s32 $0x8F2B, s0  }
0x35: {  	[sflag:s0] =	ssyncadd.remote.s32 $0x1  }
0x36: {  	_ =	sfence.sel $0xFFFF  }
0x37: {  	[dreg:$0x0] =	wrdreg $0xFFFFFFFF;
	(pc) =	sbr.abs _section_cstart, $3  }
0x38: {  	[dreg:$0x1] =	wrdreg $0xFFFFFFFF  }
0x39: {  	_ =	task.clear_ibuf [dreg:s7], $0x2FFFF;
	_ =	strace $0x9FFFFFFF  }
0x3a: {  	(tm) =	ssettm $0x7FFFFFFF  }
0x3b: {  	_ =	shalt  }
tec
execute0_lowered:
.L_overlay_start_1:
0x0: {  	(tag) =	ssettag $0x1  }
0x1: {  	s0 =	srdreg.scid  }
0x2: {  	s1 =	sshll.u32 s0, $0x4  }
0x3: {  	s4 =	rddreg [dreg:$0x0];
	s0 =	stileid.u32;
	s1 =	sand.u32 $0x10, s1  }
0x4: {  	s2 =	rddreg [dreg:$0x1];
	s7 =	simm.s32 $0x1;
	s1 =	sor.u32 s0, s1  }
0x5: {  	s8 =	simm.s32 $0x2;
	s11 =	simm.s32 $0x0;
	s3 =	sshll.u32 s1, $0x7  }
0x6: {  	s10 =	simm.s32 $0x0;
	s4 =	sadd.s32 $0x800, s4;
	s6 =	ssub.s32 $0xC8000, s3  }
.Ltmp0:
0x7: {  	s1 =	rddreg [dreg:$0x2];
	s5 =	sand.u32 $0xF80, s6;
	(pc) =	sbr.rel .LBB1_1-.Ltmp0, $4  }
0x8: {  	_ =	strace $0x8000004A;
	s9 =	smov.u32 s3;
	p0 =	sne.s32 s5, $0x0  }
0x9: {  	s6 =	sshrl.u32 s6, $0xC;
	s5 =	simm.s32 $0x1;
	s7 =	simm.s32 @!p0 $0x0  }
0xa: {  	[sflag:s5] =	ssyncpa.u1 $0x0;
	p0 =	por $0x0, $0x0;
	s6 =	sadd.s32 s7, s6  }
0xb: {  	[sflag:s8] =	ssyncpa.u1 $0x0;
	s8 =	simm.s32 $0x640000;
	s7 =	sadd.s32 $0x1, s6  }
.LBB1_4:
0xc: {  	s14 =	sshll.u32 s11, $0x3  }
0xd: {  	s30 =	sand.u32 $0x7F, s11;
	s15 =	sand.u32 $0xFFFFFC00, s14  }
0xe: {  	s11 =	sor.u32 s30, s15  }
0xf: {  	s15 =	smulhi.u32 $0x51EB851F, s11  }
0x10: {  	s14 =	smulhi.u32 $0x51EB851F, s14  }
0x11: {  	s15 =	sshrl.u32 s15, $0x12  }
0x12: {  	s14 =	sshrl.u32 s14, $0x12;
	s15 =	smul.u32 $0xC8000, s15  }
0x13: {  	s14 =	sand.u32 $0x1F, s14  }
0x14: {  	s14 =	smul.u32 $0x19000, s14;
	s11 =	ssub.s32 s11, s15  }
0x15: {  	s15 =	sand.u32 $0x7, s11  }
0x16: {  	s14 =	sadd.s32 s2, s14;
	s11 =	sshrl.u32 s11, $0x3;
	s15 =	sshll.u32 s15, $0x12  }
0x17: {  	[tilespmem:s13+$0x0 ss:$0x81] =	vst.msk $0xffff, v0;
	s11 =	sadd.s32 s11, s14;
	s31 =	sor.u32 $0x400, s15  }
0x18: {  	[hbm4b:s11+s31] =	stream.strided.scatter [tilespmem:s12], [sflag:$0x2], $0x1000, s8, s31, $0x20;
	[tilespmem:$0x4040] =	vst v63  }
.LBB1_5:
0x19: {  	s13 =	sadd.s32 $0x1000, s9  }
0x1a: {  	p2 =	sgt.s32 s13, $0xC7FFF  }
0x1b: {  	s13 =	smov.u32 @p2 s3;
	p2 =	sne.s32 s10, s7  }
.Ltmp1:
0x1c: {  	p1 =	slt.u32 s10, $0x2;
	(pc) =	sbr.rel @!p2 .LBB1_6-.Ltmp1, $4  }
0x1d: {  	s12 =	simm.s32 @!p1 $0x2  }
0x1e: {  	s14 =	sadd.s32 $0x1, s10;
	_ =	swait.ge @!p1 [sflag:s12], $0x1000  }
0x1f: {  	s11 =	smov.u32 s9;
	p0 =	por !p0, !p0;
	[sflag:s12] =	ssyncset.done @!p1 $0x0  }
0x20: {  	s10 =	smov.u32 s14;
	s9 =	smov.u32 s13;
	[sflag:s12] =	ssyncadd.s32 @!p1 $0xFFFFF000  }
.LBB1_1:
0x21: {  	p1 =	sge.u32 s10, s6  }
0x22: {  	s12 =	sand.u32 @!p1 $0x1FFFFFF, s9  }
0x23: {  	s13 =	smulhi.u32 @!p1 $0x147AE15, s12;
	_ =	sdelay $0x1  }
0x24: {  	s13 =	sshrl.u32 @!p1 s13, $0xC  }
0x25: {  	s13 =	smul.u32 @!p1 $0xC8000, s13;
	_ =	sdelay $0x1  }
0x26: {  	s31 =	sadd.s32 $0xFFFFFFFF, s10;
	s14 =	sxor.u32 @!p1 $0xFFFFFFFF, s10;
	s12 =	ssub.s32 @!p1 s12, s13  }
0x27: {  	s15 =	simm.s32 @!p1 $0x80;
	s14 =	sshll.u32 @!p1 s14, $0xC;
	s12 =	sshll.u32 @!p1 s12, $0x4  }
0x28: {  	s13 =	sand.u32 @!p1 $0x1000, s14;
	s14 =	simm.s32 @!p1 $0x20;
	s12 =	sadd.s32 @!p1 s4, s12  }
0x29: {  	[tilespmem:s13], [sflag:$0x1] =	stream.strided.gather @!p1 [hbm4b:s12+s14], $0x1000, s15, s14, $0x38;
	[tilespmem:$0x4040] =	vst v63  }
0x2a: {  	p1 =	sge.u32 s31, s6  }
.Ltmp2:
0x2b: {  	_ = 	snop;
	(pc) =	sbr.rel @p1 .LBB1_5-.Ltmp2, $1  }
0x2c: {  	_ =	sdelay $0x3  }
0x2d: {  	s12 =	simm.s32 $0x1  }
0x2e: {  	_ =	swait.ge [sflag:s5], $0x1000;
	s12 =	simm.s32 @!p0 $0x0  }
0x2f: {  	[sflag:s5] =	ssyncset.done $0x0;
	s13 =	sshll.u32 s12, $0xC  }
0x30: {  	[sflag:s5] =	ssyncadd.s32 $0xFFFFF000;
	s16 =	sor.u32 $0x10, s13  }
0x31: {  	s12 =	smul.u32 $0x4080, s12;
	v1 =	vld [tilespmem:s16+$0x0]  }
0x32: {  	s30 =	sand.u32 $0x1, s10;
	v0 =	vld [tilespmem:s16+$0xFFFFFFF0]  }
0x33: {  	s13 =	smul.u32 $0x4080, s30;
	s12 =	sshrl.u32 s12, $0x2  }
0x34: {  	s14 =	sor.u32 $0x2000, s12  }
0x35: {  	s31 =	sshrl.u32 s13, $0x2;
	s13 =	sadd.s32 $0x0, s14  }
0x36: {  	s15 =	simm.s32 $0x4;
	s16 =	sadd.s32 $0x20, s16;
	s12 =	sor.u32 $0x2000, s31;
	[tilespmem:s13+$0x810 ss:$0x81] =	vst.msk $0xffff, v1  }
.LBB1_3:
0x37: {  	v1 =	vld [tilespmem:s16+$0x0];
	p1 =	sne.s32 s15, $0x1FC;
	[tilespmem:s13+$0x0 ss:$0x81] =	vst.msk $0xffff, v0;
	s13 =	smov.u32 s15;
	s15 =	sadd.s32 $0x4, s15  }
.Ltmp3:
0x38: {  	v0 =	vld [tilespmem:s16+$0xFFFFFFF0];
	(pc) =	sbr.rel @p1 .LBB1_3-.Ltmp3, $4  }
0x39: {  	_ = 	snop  }
0x3a: {  	s13 =	sshra.s32 s13, $0x2  }
0x3b: {  	s13 =	sadd.s32 s13, s14  }
0x3c: {  	s16 =	sadd.s32 $0x20, s16;
	[tilespmem:s13+$0x810 ss:$0x81] =	vst.msk $0xffff, v1  }
.Ltmp4:
0x3d: {  	_ = 	snop;
	(pc) =	sbr.rel .LBB1_4-.Ltmp4, $1  }
0x3e: {  	_ =	sdelay $0x3  }
.LBB1_6:
0x3f: {  	_ =	sfence.sel $0x180000  }
0x40: {  	s2 =	simm.s32 $0x1;
	[bflag:$0x0] =	sbarrier.arrive $0xFFFF  }
0x41: {  	s31 =	simm.s32 $0x2;
	[sflag:s2] =	ssyncpa.u1 $0x1  }
0x42: {  	[sflag:s31] =	ssyncpa.u1 $0x1  }
0x43: {  	p0 =	sne.s32 s0, $0x0;
	_ =	strace $0x9000004A  }
0x44: {  	s0 =	sadd.s32 @!p0 $0x100000, s1;
	[bflag:$0x2] =	sbarrier.arrive $0xFFFF  }
0x45: {  	[sflag:s0] =	ssyncadd.tile.s32 @!p0 $0x1;
	_ =	shalt  }
.Lfunc_end1:
_tile_overlayer_lowered:
.L_overlay_start_2:
0x46: {  	(tag) =	ssettag $0x2  }
0x47: {  	s0 =	rddreg [dreg:$0x0];
	s2 =	stileid.u32  }
0x48: {  	s1 =	rddreg [dreg:$0x1];
	p0 =	sne.s32 s2, $0x0  }
0x49: {  	s3 =	rddreg [dreg:$0x2];
	[bflag:$0x3] =	sbarrier.arrive $0xFFFF;
	s2 =	simm.s32 @!p0 $0x1C01  }
0x4a: {  	[timem:s3], [sflag:s2] =	dma.local @!p0 [hbm:s0], s1  }
0x4b: {  	s0 =	simm.s32 @!p0 $0x1  }
0x4c: {  	_ =	swait.ge @!p0 [sflag:s0], s1  }
0x4d: {  	s1 =	ssub.s32 @!p0 $0x0, s1;
	[sflag:s0] =	ssyncset.done @!p0 $0x0  }
0x4e: {  	[sflag:s0] =	ssyncadd.s32 @!p0 s1  }
0x4f: {  	[bflag:$0x3] =	sbarrier.arrive $0xFFFF  }
0x50: {  	_ =	shalt  }

</sc_bundles>
